<compile_context>
chip_gen: v7x
topology: tpu7x:2x2x1
jax: 0.10.2.dev20260603
libtpu: 0.0.44.dev20260713+nightly
codegen_flags: <defaults>
</compile_context>

<pallas_src>
import jax
import jax.numpy as jnp
from jax.experimental import pallas as pl

_NUM_CLASSES = 21
_TOP_K = 200
_CONF_THRESH = 0.01
_NMS_THRESH = 0.45
_VAR0, _VAR1 = 0.1, 0.2


def _decode(loc, priors):
    centers = priors[:, :2] + loc[:, :2] * _VAR0 * priors[:, 2:]
    wh = priors[:, 2:] * jnp.exp(loc[:, 2:] * _VAR1)
    xy1 = centers - wh / 2.0
    xy2 = xy1 + wh
    return jnp.concatenate([xy1, xy2], axis=1)


def _iou_matrix(b):
    x1, y1, x2, y2 = b[:, 0], b[:, 1], b[:, 2], b[:, 3]
    area = (x2 - x1) * (y2 - y1)
    xx1 = jnp.maximum(x1[:, None], x1[None, :])
    yy1 = jnp.maximum(y1[:, None], y1[None, :])
    xx2 = jnp.minimum(x2[:, None], x2[None, :])
    yy2 = jnp.minimum(y2[:, None], y2[None, :])
    w = jnp.clip(xx2 - xx1, 0.0, None)
    h = jnp.clip(yy2 - yy1, 0.0, None)
    inter = w * h
    union = area[:, None] + area[None, :] - inter
    return inter / union


def _nms_single(decoded, scores):
    s = jnp.where(scores > _CONF_THRESH, scores, -jnp.inf)
    vals, order = jax.lax.top_k(s, _TOP_K)
    b = decoded[order]
    active = vals > _CONF_THRESH
    iou = _iou_matrix(b)
    ar = jnp.arange(_TOP_K)

    def body(i, keep):
        suppress = (iou[i] > _NMS_THRESH) & keep[i] & (ar > i)
        return keep & jnp.logical_not(suppress)

    keep = jax.lax.fori_loop(0, _TOP_K, body, active)
    perm = jnp.argsort(jnp.where(keep, 0, 1))
    kv = keep[perm]
    out_scores = jnp.where(kv, vals[perm], 0.0)
    out_boxes = jnp.where(kv[:, None], b[perm], 0.0)
    return jnp.concatenate([out_scores[:, None], out_boxes], axis=1)


def _identity_pallas(x):
    def k(x_ref, o_ref):
        o_ref[...] = x_ref[...]

    return pl.pallas_call(
        k, out_shape=jax.ShapeDtypeStruct(x.shape, x.dtype)
    )(x)


def kernel(loc_data, conf_data, prior_data):
    b, n, c = loc_data.shape
    loc_data = _identity_pallas(loc_data.reshape(b, n * c)).reshape(b, n, c)

    def per_image(loc_i, conf_i):
        decoded = _decode(loc_i, prior_data)
        res = jax.vmap(lambda sc: _nms_single(decoded, sc))(conf_i.T)
        return res.at[0].set(0.0)

    return jax.vmap(per_image)(loc_data, conf_data)

# --- scband reference (transcript-rebuilt; emitter-appended) ---
"""Pipeline reference for scband-ssd-56848187129935 (READ-ONLY COPY).

The authoritative reference and input builder live on the scoring server;
editing this copy changes nothing except your own understanding.
"""

import jax, jax.numpy as jnp
import numpy as np

NUM_CLASSES = 21
TOP_K = 200
CONF_THRESH = 0.01
NMS_THRESH = 0.45
VAR0, VAR1 = 0.1, 0.2
NUM_PRIORS = 20000
BATCH = 4


def decode(loc, priors):
    centers = priors[:, :2] + loc[:, :2] * VAR0 * priors[:, 2:]
    wh = priors[:, 2:] * jnp.exp(loc[:, 2:] * VAR1)
    xy1 = centers - wh / 2.0
    xy2 = xy1 + wh
    return jnp.concatenate([xy1, xy2], axis=1)


def iou_matrix(b):
    x1, y1, x2, y2 = b[:, 0], b[:, 1], b[:, 2], b[:, 3]
    area = (x2 - x1) * (y2 - y1)
    xx1 = jnp.maximum(x1[:, None], x1[None, :])
    yy1 = jnp.maximum(y1[:, None], y1[None, :])
    xx2 = jnp.minimum(x2[:, None], x2[None, :])
    yy2 = jnp.minimum(y2[:, None], y2[None, :])
    w = jnp.clip(xx2 - xx1, 0.0, None)
    h = jnp.clip(yy2 - yy1, 0.0, None)
    inter = w * h
    union = area[:, None] + area[None, :] - inter
    return inter / union


def nms_single(decoded, scores):
    # conf threshold: masked scores sort to the bottom
    s = jnp.where(scores > CONF_THRESH, scores, -jnp.inf)
    vals, order = jax.lax.top_k(s, TOP_K)
    b = decoded[order]
    active = vals > CONF_THRESH
    iou = iou_matrix(b)
    ar = jnp.arange(TOP_K)

    def body(i, keep):
        suppress = (iou[i] > NMS_THRESH) & keep[i] & (ar > i)
        return keep & jnp.logical_not(suppress)

    keep = jax.lax.fori_loop(0, TOP_K, body, active)
    # compact kept detections to the front (stable, preserves score order)
    perm = jnp.argsort(jnp.where(keep, 0, 1))
    kv = keep[perm]
    out_scores = jnp.where(kv, vals[perm], 0.0)
    out_boxes = jnp.where(kv[:, None], b[perm], 0.0)
    return jnp.concatenate([out_scores[:, None], out_boxes], axis=1)


def setup_inputs(seed: int = 0):
    key = jax.random.key(seed)
    k1, k2, k3 = jax.random.split(key, 3)
    loc_data = jax.random.normal(k1, (BATCH, NUM_PRIORS, 4), dtype=jnp.float32)
    conf_data = jax.random.uniform(k2, (BATCH, NUM_PRIORS, NUM_CLASSES), dtype=jnp.float32)
    prior_data = jax.random.uniform(k3, (NUM_PRIORS, 4), dtype=jnp.float32, minval=0.01, maxval=1.0)
    return {"loc_data": loc_data, "conf_data": conf_data, "prior_data": prior_data}


def reference(loc_data, conf_data, prior_data):
    def per_image(loc_i, conf_i):
        decoded = decode(loc_i, prior_data)
        res = jax.vmap(lambda sc: nms_single(decoded, sc))(conf_i.T)
        # background class (0) stays zero, matching Detect's cl in 1..num_classes loop
        return res.at[0].set(0.0)

    out = jax.vmap(per_image)(loc_data, conf_data)
    return out

if __name__ == "__main__":
    import jax
    _d = setup_inputs()
    print(jax.jit(kernel)(*tuple(_d.values())))

</pallas_src>

<mosaic_0001>
module attributes {stable_mosaic.version = 14 : i64} {
  func.func @k(%arg0: memref<4x80000xf32, #tpu.memory_space<vmem>>, %arg1: memref<4x80000xf32, #tpu.memory_space<vmem>>) attributes {dimension_semantics = [], scalar_prefetch = 0 : i64, scratch_operands = 0 : i64, tpu.core_type = #tpu.core_type<tc>} {
    %get3A = arith.constant 0 : index
    %get3A_0 = arith.constant 0 : index
    %get3A_1 = vector.load %arg0[%get3A, %get3A_0] : memref<4x80000xf32, #tpu.memory_space<vmem>>, vector<4x80000xf32>
    %swap3A = arith.constant 0 : index
    %swap3A_2 = arith.constant 0 : index
    %swap3A_3 = vector.load %arg1[%swap3A, %swap3A_2] : memref<4x80000xf32, #tpu.memory_space<vmem>>, vector<4x80000xf32>
    tpu.vector_store %arg1[%swap3A, %swap3A_2], %get3A_1 {strides = array<i32>} : memref<4x80000xf32, #tpu.memory_space<vmem>>, vector<4x80000xf32>,
    return
  }
}

</mosaic_0001>

<sc_bundles>
// kernel: gather_offload_async_start.1
scs
__scs_entry_jumppad:
0x0: {  	(pc) =	sbr.rel $0x88, $3  }
0x1: {  	(tag) =	ssettag $0x0;
	lr =	simm.s32 $0x1  }
0x2: {  	[smem:$0x3F9E] =	sst lr;
	_ =	strace $0xD0000000  }
0x3: {  	_ = 	snop  }
0x4: {  	_ = 	snop  }
0x5: {  	_ = 	snop  }
0x6: {  	_ = 	snop  }
0x7: {  	_ = 	snop  }
__scs_overlays_trampoline_lowered:
0x8: {  	[smem:$0x3FAD] =	sst s0  }
0x9: {  	[smem:$0x3FAE] =	sst s1  }
0xa: {  	[smem:$0x3FAF] =	sst s2  }
0xb: {  	[smem:$0x3FB0] =	sst s3  }
0xc: {  	[smem:$0x3FB1] =	sst s4  }
0xd: {  	[smem:$0x3FB2] =	sst s5  }
0xe: {  	[smem:$0x3FB3] =	sst s6  }
0xf: {  	[smem:$0x3FB4] =	sst s7  }
0x10: {  	[smem:$0x3FB5] =	sst s8  }
0x11: {  	[smem:$0x3FB6] =	sst s9;
	s0 =	simm.s32 @!p0 $0x0  }
0x12: {  	s1 =	sld [smem:$0x3F9C];
	s0 =	simm.s32 @p0 $0x1  }
0x13: {  	[smem:$0x3FB7] =	sst s0;
	s0 =	simm.s32 @!p1 $0x0  }
0x14: {  	s2 =	sld [smem:$0x3F9B];
	s0 =	simm.s32 @p1 $0x1  }
0x15: {  	[smem:$0x3FB8] =	sst s0;
	s0 =	simm.s32 @!p2 $0x0  }
0x16: {  	s3 =	sld [smem:$0x3FDB];
	s0 =	simm.s32 @p2 $0x1  }
0x17: {  	s4 =	simm.s32 $0x1BF5;
	[smem:$0x3FBA] =	sst s0  }
0x18: {  	s0 =	sld [smem:$0x3F9D];
	_ =	swait.ge [sflag:s4], $0x0  }
0x19: {  	s7 =	sld [smem:$0x3F9E]  }
0x1a: {  	s8 =	sadd.s32 $0xFFFFE003, lr  }
0x1b: {  	s9 =	sadd.s32 $0xFFFFFEF7, lr;
	s5 =	simm.s32 $0xFFFFFFFF;
	p2 =	slt.u32 s8, $0xFFFFF086  }
0x1c: {  	p1 =	slt.u32 s9, $0xF7A;
	s5 =	simm.s32 @!p2 $0x0  }
0x1d: {  	s5 =	simm.s32 @p1 $0x1;
	p0 =	seq.s32 s7, s2  }
0x1e: {  	s7 =	smul.u32 @!p0 $0xF7A, s2;
	p2 =	seq.s32 @!p0 s5, $0x0  }
0x1f: {  	s9 =	smul.u32 $0xF7A, s1;
	s8 =	simm.s32 @!p0 $0x1BF5;
	p2 =	por !p2, p0  }
0x20: {  	[sflag:s8] =	ssyncset.s32 @!p0 $0xFFFFF086;
	s6 =	sadd.s32 @!p0 s3, s7;
	s7 =	simm.s32 @!p0 $0x108  }
0x21: {  	s3 =	sadd.s32 s3, s9;
	s6 =	sadd.s32 @!p0 $0x88, s6;
	s7 =	simm.s32 @p2 $0x1082  }
0x22: {  	[simem:s7], [sflag:s8] =	dma.local @!p0 [hbm:s6], $0xF7A  }
0x23: {  	s9 =	sor.u32 $0xD0000000, s2;
	s6 =	simm.s32 $0x108;
	_ =	swait.ge @!p0 [sflag:s8], $0x0  }
0x24: {  	s3 =	sadd.s32 $0x88, s3;
	s6 =	simm.s32 @!p1 $0x1082;
	[sflag:s4] =	ssyncset.s32 $0xFFFFF086  }
0x25: {  	[simem:s6], [sflag:s4] =	dma.local [hbm:s3], $0xF7A  }
0x26: {  	[smem:$0x3F9E] =	sst s1;
	(tag) =	ssettag s2;
	_ =	strace s9  }
0x27: {  	s1 =	sld [smem:$0x3FAE]  }
0x28: {  	s2 =	sld [smem:$0x3FAF]  }
0x29: {  	s4 =	sld [smem:$0x3FB1]  }
0x2a: {  	p0 =	seq.s32 s5, $0x0;
	s5 =	sld [smem:$0x3FB2]  }
0x2b: {  	s6 =	sld [smem:$0x3FB3]  }
0x2c: {  	s7 =	sld [smem:$0x3FB4]  }
0x2d: {  	s3 =	simm.s32 $0x108;
	s8 =	sld [smem:$0x3FB5]  }
0x2e: {  	s3 =	simm.s32 @!p0 $0x1082;
	s9 =	sld [smem:$0x3FB6]  }
0x2f: {  	lr =	sadd.s32 s0, s3;
	s0 =	sld [smem:$0x3FAD]  }
0x30: {  	s3 =	sld [smem:$0x3FB0]  }
0x31: {  	[smem:$0x3FB9] =	sst s10  }
0x32: {  	s10 =	sld [smem:$0x3FB7];
	_ =	sdelay $0x3  }
0x33: {  	p0 =	seq.s32 s10, $0x1;
	s10 =	sld [smem:$0x3FB9];
	_ =	sdelay $0x3  }
0x34: {  	[smem:$0x3FB9] =	sst s10  }
0x35: {  	s10 =	sld [smem:$0x3FB8];
	_ =	sdelay $0x3  }
0x36: {  	p1 =	seq.s32 s10, $0x1;
	s10 =	sld [smem:$0x3FB9];
	_ =	sdelay $0x3  }
0x37: {  	[smem:$0x3FB9] =	sst s10  }
0x38: {  	s10 =	sld [smem:$0x3FBA]  }
0x39: {  	_ = 	snop;
	(pc) =	sbr.ind lr, $3  }
0x3a: {  	_ = 	snop  }
0x3b: {  	_ = 	snop  }
0x3c: {  	p2 =	seq.s32 s10, $0x1;
	s10 =	sld [smem:$0x3FB9]  }
0x3d: {  	_ =	shalt  }
0x3e: {  	_ =	shalt  }
0x3f: {  	_ =	shalt  }
0x40: {  	_ =	shalt  }
0x41: {  	_ =	shalt  }
0x42: {  	_ =	shalt  }
0x43: {  	_ =	shalt  }
0x44: {  	_ =	shalt  }
0x45: {  	_ =	shalt  }
0x46: {  	_ =	shalt  }
0x47: {  	_ =	shalt  }
0x48: {  	_ =	shalt  }
0x49: {  	_ =	shalt  }
0x4a: {  	_ =	shalt  }
0x4b: {  	_ =	shalt  }
0x4c: {  	_ =	shalt  }
0x4d: {  	_ =	shalt  }
0x4e: {  	_ =	shalt  }
0x4f: {  	_ =	shalt  }
0x50: {  	_ =	shalt  }
0x51: {  	_ =	shalt  }
0x52: {  	_ =	shalt  }
0x53: {  	_ =	shalt  }
0x54: {  	_ =	shalt  }
0x55: {  	_ =	shalt  }
0x56: {  	_ =	shalt  }
0x57: {  	_ =	shalt  }
0x58: {  	_ =	shalt  }
0x59: {  	_ =	shalt  }
0x5a: {  	_ =	shalt  }
0x5b: {  	_ =	shalt  }
0x5c: {  	_ =	shalt  }
0x5d: {  	_ =	shalt  }
0x5e: {  	_ =	shalt  }
0x5f: {  	_ =	shalt  }
0x60: {  	_ =	shalt  }
0x61: {  	_ =	shalt  }
0x62: {  	_ =	shalt  }
0x63: {  	_ =	shalt  }
0x64: {  	_ =	shalt  }
0x65: {  	_ =	shalt  }
0x66: {  	_ =	shalt  }
0x67: {  	_ =	shalt  }
0x68: {  	_ =	shalt  }
0x69: {  	_ =	shalt  }
0x6a: {  	_ =	shalt  }
0x6b: {  	_ =	shalt  }
0x6c: {  	_ =	shalt  }
0x6d: {  	_ =	shalt  }
0x6e: {  	_ =	shalt  }
0x6f: {  	_ =	shalt  }
0x70: {  	_ =	shalt  }
0x71: {  	_ =	shalt  }
0x72: {  	_ =	shalt  }
0x73: {  	_ =	shalt  }
0x74: {  	_ =	shalt  }
0x75: {  	_ =	shalt  }
0x76: {  	_ =	shalt  }
0x77: {  	_ =	shalt  }
0x78: {  	_ =	shalt  }
0x79: {  	_ =	shalt  }
0x7a: {  	_ =	shalt  }
0x7b: {  	_ =	shalt  }
0x7c: {  	_ =	shalt  }
0x7d: {  	_ =	shalt  }
0x7e: {  	_ =	shalt  }
0x7f: {  	_ =	shalt  }
0x80: {  	_ =	shalt  }
0x81: {  	_ =	shalt  }
0x82: {  	_ =	shalt  }
0x83: {  	_ =	shalt  }
0x84: {  	_ =	shalt  }
0x85: {  	_ =	shalt  }
0x86: {  	_ =	shalt  }
0x87: {  	_ =	shalt  }
.Lfunc_end0:
.L_simem_size_0:
called_computation.1_lowered:
.L_overlay_start_0:
0x88: {  	s0 =	sld [smem:$0x3FD9]  }
0x89: {  	s1 =	sld [smem:$0x3FFE];
	_ =	sdelay $0x3  }
0x8a: {  	s0 =	sadd.s32 s1, s0  }
0x8b: {  	[smem:$0x3FC5] =	sst s0  }
0x8c: {  	_ = 	snop  }
0x8d: {  	(tm) =	ssettm $0x1  }
0x8e: {  	s15 =	sld [smem:$0x3FFB];
	_ =	sdelay $0x3  }
0x8f: {  	_ =	strace s15  }
0x90: {  	s0 =	sld [smem:$0x3FFC];
	_ =	sdelay $0x3  }
0x91: {  	_ =	strace s0  }
0x92: {  	s0 =	sld [smem:$0x3FFD];
	_ =	sdelay $0x3  }
0x93: {  	_ =	strace s0  }
0x94: {  	_ =	strace $0x8FFFFFFF  }
0x95: {  	s16 =	sld [smem:$0x3FDB];
	_ =	sdelay $0x1  }
0x96: {  	s17 =	simm.s32 $_scs_section_size  }
0x97: {  	s2 =	simm.s32 $_size__tile_overlayer_lowered;
	s3 =	simm.s32 $_tile_overlayer_lowered  }
0x98: {  	s20 =	simm.s32 $0x1BFF;
	s19 =	sshll.u32 s3, $0x1;
	s0 =	sadd.s32 s17, s16  }
0x99: {  	s4 =	simm.s32 $0x0;
	s18 =	sshll.u32 s2, $0x1;
	s2 =	sadd.s32 s19, s0  }
0x9a: {  	[timem:s4], [sflag:s20] =	dma.local [hbm:s2], s18  }
0x9b: {  	_ =	swait.ge [sflag:s20], s18  }
0x9c: {  	s1 =	ssub.s32 $0x0, s18;
	[sflag:s20] =	ssyncset.done $0x0  }
0x9d: {  	[sflag:s20] =	ssyncadd.s32 s1;
	_ =	sdelay $0x1  }
0x9e: {  	s21 =	simm.s32 $0x1B8B  }
0x9f: {  	_ =	swait.ge [sflag:s21], $0x1  }
0xa0: {  	[sflag:s21] =	ssyncset.done $0x0  }
0xa1: {  	s23 =	simm.s32 $0x1B8E;
	s22 =	sld [smem:$0x3FFE];
	[sflag:s21] =	ssyncadd.s32 $0xFFFFFFFF  }
0xa2: {  	s24 =	simm.s32 $execute0_lowered;
	[smem:$0x3FD2] =	sst s23  }
0xa3: {  	s2 =	sshll.u32 s24, $0x1;
	_ =	strace $0x80000049;
	[dreg:$0x1] =	wrdreg $0xFFFFFFFF  }
0xa4: {  	s25 =	simm.s32 $_size_execute0_lowered;
	s0 =	sadd.s32 s0, s2;
	[dreg:$0x0] =	wrdreg $0x0  }
0xa5: {  	s2 =	sshll.u32 s25, $0x1;
	[dreg:$0x2] =	wrdreg s0  }
0xa6: {  	[dreg:$0x3] =	wrdreg s2  }
0xa7: {  	[dreg:$0x4] =	wrdreg $0xC0  }
0xa8: {  	_ =	task [dreg:s4], $0x5FFFF  }
0xa9: {  	[dreg:$0x1] =	wrdreg $0xFFFFFFFF  }
0xaa: {  	[dreg:$0x0] =	wrdreg $0x60  }
0xab: {  	[dreg:$0x2] =	wrdreg s22  }
0xac: {  	[dreg:$0x3] =	wrdreg $0x9  }
0xad: {  	_ =	task.clear_ibuf [dreg:s4], $0x4FFFF;
	_ =	strace $0x90000049  }
0xae: {  	s26 =	simm.s32 $0x9;
	_ =	strace $0x8000004B  }
0xaf: {  	_ =	swait.ge [sflag:s26], $0x1  }
0xb0: {  	[sflag:s26] =	ssyncadd.s32 $0xFFFFFFFF  }
0xb1: {  	_ =	strace $0x9000004B  }
0xb2: {  	_ =	sfence  }
0xb3: {  	s28 =	sld [smem:$0x0];
	_ =	sdelay $0x1  }
0xb4: {  	s29 =	srdreg.scid  }
0xb5: {  	s30 =	sshll.u32 s29, $0xD;
	s31 =	sshrl.u32 s29, $0x2  }
0xb6: {  	s1 =	sand.u32 $0x1, s29;
	s2 =	sand.u32 $0x4000, s30;
	s0 =	sadd.s32 s31, s28  }
0xb7: {  	s1 =	sor.u32 s2, s1;
	s0 =	sshll.u32 s0, $0x11  }
0xb8: {  	s0 =	sor.u32 s0, s1  }
0xb9: {  	s0 =	sadd.s32 $0x8F2B, s0  }
0xba: {  	[sflag:s0] =	ssyncadd.remote.s32 $0x1  }
0xbb: {  	_ =	sfence.sel $0xFFFF  }
0xbc: {  	[dreg:$0x0] =	wrdreg $0xFFFFFFFF;
	(pc) =	sbr.abs _section_cstart, $3  }
0xbd: {  	[dreg:$0x1] =	wrdreg $0xFFFFFFFF  }
0xbe: {  	_ =	task.clear_ibuf [dreg:s4], $0x2FFFF;
	_ =	strace $0x9FFFFFFF  }
0xbf: {  	(tm) =	ssettm $0x7FFFFFFF  }
tec
execute0_lowered:
.L_overlay_start_1:
0x0: {  	(tag) =	ssettag $0x1  }
0x1: {  	s0 =	stileid.u32;
	s1 =	simm.s32 $0x0  }
0x2: {  	s4 =	simm.s32 $0x600;
	s3 =	rddreg [dreg:$0x0];
	s7 =	simm.s32 $0x1  }
0x3: {  	s8 =	simm.s32 $0x3;
	s11 =	simm.s32 $0x4;
	p0 =	seq.s32 s0, $0x0  }
0x4: {  	s10 =	simm.s32 $0x0;
	s2 =	sshll.u32 s0, $0xA;
	s1 =	simm.s32 @!p0 $0x200  }
0x5: {  	s12 =	simm.s32 $0xFFFFF800;
	s4 =	simm.s32 @!p0 $0x400;
	s2 =	sor.u32 s2, s1  }
0x6: {  	s13 =	simm.s32 $0xFFFFFE00;
	s14 =	simm.s32 $0xFFFFFFFF;
	s4 =	sadd.s32 s4, s2  }
0x7: {  	s18 =	simm.s32 $0x0;
	s15 =	simm.s32 $0x0;
	s4 =	smin.u32 s4, $0x41A0  }
0x8: {  	s17 =	simm.s32 $0x0;
	s1 =	rddreg [dreg:$0x1];
	s9 =	ssub.s32 s4, s2  }
.Ltmp0:
0x9: {  	_ =	strace $0x8000004A;
	p0 =	sgt.s32 s9, $0x0;
	(pc) =	sbr.rel .LBB2_1-.Ltmp0, $4  }
0xa: {  	[sflag:s7] =	ssyncpa.u1 $0x0;
	s7 =	simm.s32 $0x2;
	s9 =	simm.s32 @!p0 $0x0  }
0xb: {  	s5 =	sadd.s32 $0xE00, s3;
	[sflag:s7] =	ssyncpa.u1 $0x0;
	s9 =	sadd.s32 $0x1FF, s9  }
0xc: {  	s6 =	sadd.s32 $0x1800, s3;
	[sflag:s8] =	ssyncpa.u1 $0x0;
	s9 =	sshrl.u32 s9, $0x9  }
0xd: {  	v0 =	vlaneseq.u32;
	vm0 =	vmmov $0xffff;
	s16 =	smov.u32 s2;
	[sflag:s11] =	ssyncpa.u1 $0x0;
	s11 =	sadd.s32 $0x2, s9  }
.LBB2_7:
0xe: {  	p0 =	slt.u32 s17, $0x3  }
0xf: {  	s18 =	simm.s32 @!p0 $0x4  }
0x10: {  	_ =	swait.ge @!p0 [sflag:s18], $0x80  }
0x11: {  	s19 =	sadd.s32 $0x200, s16;
	[sflag:s18] =	ssyncset.done @!p0 $0x0  }
0x12: {  	s20 =	smov.u32 s2;
	[sflag:s18] =	ssyncadd.s32 @!p0 $0xFFFFFF80;
	p0 =	slt.s32 s19, s4  }
0x13: {  	s20 =	smov.u32 @p0 s19;
	p0 =	sne.s32 s17, s11  }
.Ltmp1:
0x14: {  	_ = 	snop;
	(pc) =	sbr.rel @!p0 .LBB2_8-.Ltmp1, $4  }
0x15: {  	_ = 	snop  }
0x16: {  	s31 =	sadd.s32 $0x1, s17;
	s12 =	sadd.s32 $0x800, s12  }
0x17: {  	s13 =	sadd.s32 $0x200, s13;
	s14 =	sadd.s32 $0x1, s14;
	s18 =	smov.u32 s15  }
0x18: {  	s15 =	smov.u32 s16;
	s17 =	smov.u32 s31;
	s16 =	smov.u32 s20  }
.LBB2_1:
0x19: {  	p0 =	sge.u32 s17, s9  }
0x1a: {  	s19 =	smulhi.u32 @!p0 $0xAAAAAAAB, s17;
	_ =	sdelay $0x1  }
0x1b: {  	s19 =	sshrl.u32 @!p0 s19, $0x1  }
0x1c: {  	s19 =	smul.u32 @!p0 $0x3, s19;
	_ =	sdelay $0x1  }
0x1d: {  	s31 =	sadd.s32 $0xFFFFFFFF, s17;
	s20 =	sshrl.u32 @!p0 s16, $0x3;
	s19 =	ssub.s32 @!p0 s17, s19  }
0x1e: {  	s21 =	sand.u32 @!p0 $0x7, s16;
	s20 =	sadd.s32 @!p0 s5, s20;
	s19 =	sshll.u32 @!p0 s19, $0x9  }
0x1f: {  	[tilespmem:s19], [sflag:$0x2] =	stream.linear.gather @!p0 [hbm4b:s20+s21], $0x200, $0x38;
	[tilespmem:$0xB00] =	vst v63  }
0x20: {  	p0 =	sge.u32 s31, s9  }
.Ltmp2:
0x21: {  	_ = 	snop;
	(pc) =	sbr.rel @p0 .LBB2_5-.Ltmp2, $1  }
0x22: {  	_ =	sdelay $0x3  }
0x23: {  	s19 =	smulhi.u32 $0xAAAAAAAB, s14;
	_ =	sdelay $0x1  }
0x24: {  	s19 =	sshrl.u32 s19, $0x1  }
0x25: {  	s19 =	smul.u32 $0xFFFFE800, s19;
	_ =	sdelay $0x1  }
0x26: {  	_ =	swait.ge [sflag:s7], $0x200;
	s19 =	sshra.s32 s19, $0x2  }
0x27: {  	[sflag:s7] =	ssyncset.done $0x0;
	s21 =	sadd.s32 s19, s13  }
0x28: {  	[sflag:s7] =	ssyncadd.s32 $0xFFFFFE00;
	(ifvalue) =	ssetifvalue $0x7FFFFFFF;
	v1 =	vld.msk [tilespmem:s21+$0x0 ss:$0x1], $0xffff;
	_ =	sdelay $0x4  }
0x29: {  	s22 =	ssub.s32 $0x41A0, s15;
	vm1 =	veq.s32 v1, $0x80000000  }
0x2a: {  	p0 =	slt.s32 s22, $0x200;
	v2 =	vand.u32 $0x3, v1;
	v3 =	vshrl.u32 v1, $0x2;
	v1 =	vshll.u32 v1, $0x2  }
0x2b: {  	s22 =	simm.s32 @!p0 $0x200;
	s19 =	sadd.s32 $0x10, s21;
	v4 =	vsel vm1, $0xFFFFFFFF, v2;
	v2 =	vand.u32 $0x1F, v3;
	v1 =	vand.u32 $0x1FE00, v1  }
0x2c: {  	p0 =	sgt.s32 s22, $0x0;
	s20 =	smov.u32 s22;
	v5 =	vld.msk [tilespmem:s19+$0x0 ss:$0x1], $0xffff;
	v2 =	vsel vm1, $0xFFFFFFFF, v2;
	v1 =	vsel vm1, $0xFFFFFE00, v1;
	v3 =	vand.u32 $0xFFFFFE00, v4  }
0x2d: {  	s20 =	simm.s32 @!p0 $0x0;
	v1 =	vadd.s32 v3, v1;
	v3 =	vand.u32 $0xFFFFFE00, v2;
	v2 =	vshll.u32 v2, $0x2  }
0x2e: {  	s20 =	smin.u32 s20, $0x10;
	v1 =	vadd.s32 v3, v1;
	v2 =	vand.u32 $0x1FC, v2  }
0x2f: {  	v3 =	vmov s20;
	v1 =	vor.u32 v2, v1  }
0x30: {  	vm1 =	vgt.u32 v3, v0;
	v1 =	vshrl.u32 v1, $0x2  }
0x31: {  	v6 =	vshrl.u32 v5, $0x2;
	v4 =	vand.u32 $0x3, v4;
	s20 =	sadd.s32 $0x10, s19;
	v3 =	vnsel vm1, $0x7FFFFFFF, v1  }
0x32: {  	s22 =	sadd.s32 $0xFFFFFFF0, s22;
	v2 =	vld.msk [tilespmem:s20+$0x0 ss:$0x1], $0xffff;
	vm1 =	veq.s32 v5, $0x80000000;
	v1 =	vand.u32 $0x3, v5;
	v5 =	vshll.u32 v5, $0x2  }
0x33: {  	s23 =	sshrl.u32 s12, $0x2;
	p0 =	sgt.s32 s22, $0x0;
	s24 =	smov.u32 s22;
	v6 =	vand.u32 $0x1F, v6;
	v1 =	vsel vm1, $0xFFFFFFFF, v1;
	v5 =	vand.u32 $0x1FE00, v5  }
0x34: {  	s23 =	sand.u32 $0x200, s23;
	s24 =	simm.s32 @!p0 $0x0;
	[tilespmem:s21+$0x0] =	vst v4;
	v4 =	vsel vm1, $0xFFFFFFFF, v6;
	v5 =	vsel vm1, $0xFFFFFE00, v5;
	v62 =	vand.u32 $0xFFFFFE00, v1  }
0x35: {  	s31 =	smin.u32 s24, $0x10;
	s21 =	sadd.s32 $0x600, s23;
	(ifvalue) =	ssetifvalue $0x7FFFFFFF;
	v63 =	vand.u32 $0xFFFFFE00, v4;
	v4 =	vshll.u32 v4, $0x2;
	v5 =	vadd.s32 v62, v5  }
0x36: {  	v4 =	vand.u32 $0x1FC, v4;
	v5 =	vadd.s32 v63, v5;
	[tilespmem:s21], [sflag:$0x3] =	stream.indirect_vreg.gather [hbm4b:s3+s10], $0x1, v3, vm0, $0x4038;
	v3 =	vmov s31;
	[tilespmem:$0xB00] =	vst v63  }
0x37: {  	s23 =	simm.s32 $0x20;
	s24 =	sadd.s32 $0x10, s20;
	vm1 =	veq.s32 v2, $0x80000000;
	vm2 =	vgt.u32 v3, v0;
	v3 =	vor.u32 v4, v5  }
.LBB2_3:
0x38: {  	v5 =	vand.u32 $0x3, v2;
	v6 =	vshrl.u32 v2, $0x2;
	v3 =	vshrl.u32 v3, $0x2;
	s25 =	smov.u32 s19;
	s19 =	smov.u32 s20  }
0x39: {  	v4 =	vld.msk [tilespmem:s24+$0x0 ss:$0x1], $0xffff;
	s20 =	smov.u32 s24;
	v2 =	vshll.u32 v2, $0x2;
	s22 =	sadd.s32 $0xFFFFFFF0, s22;
	s23 =	sadd.s32 $0x10, s23;
	v5 =	vsel vm1, $0xFFFFFFFF, v5;
	v7 =	vnsel vm2, $0x7FFFFFFF, v3  }
0x3a: {  	p1 =	sgt.s32 s22, $0x0;
	v3 =	vand.u32 $0x1F, v6;
	v2 =	vand.u32 $0x1FE00, v2;
	v6 =	vand.u32 $0x3, v1;
	p0 =	slt.u32 s23, $0x1F0;
	s26 =	smov.u32 s22;
	v1 =	vmovc v5  }
.Ltmp3:
0x3b: {  	s26 =	simm.s32 @!p1 $0x0;
	v2 =	vsel vm1, $0xFFFFFE00, v2;
	v5 =	vand.u32 $0xFFFFFE00, v1;
	(pc) =	sbr.rel @p0 .LBB2_3-.Ltmp3, $4  }
0x3c: {  	v3 =	vsel vm1, $0xFFFFFFFF, v3;
	s26 =	smin.u32 s26, $0x10;
	v9 =	vadd.s32 v5, v2  }
0x3d: {  	v5 =	vand.u32 $0xFFFFFE00, v3;
	v3 =	vshll.u32 v3, $0x2;
	v8 =	vmov s26  }
0x3e: {  	s24 =	sadd.s32 $0x10, s24;
	s21 =	sadd.s32 $0x10, s21;
	v5 =	vadd.s32 v5, v9;
	v3 =	vand.u32 $0x1FC, v3;
	[tilespmem:s25+$0x0] =	vst v6;
	(ifvalue) =	ssetifvalue $0x7FFFFFFF;
	vm1 =	veq.s32 v4, $0x80000000  }
0x3f: {  	vm2 =	vgt.u32 v8, v0;
	v2 =	vmov v4;
	v3 =	vor.u32 v3, v5;
	[tilespmem:s21], [sflag:$0x3] =	stream.indirect_vreg.gather [hbm4b:s3+s10], $0x1, v7, vm0, $0x4038;
	[tilespmem:$0xB00] =	vst v63  }
0x40: {  	v4 =	vand.u32 $0x3, v2;
	v5 =	vshrl.u32 v2, $0x2;
	v2 =	vshll.u32 v2, $0x2  }
0x41: {  	s22 =	sadd.s32 $0xFFFFFFF0, s22;
	v4 =	vsel vm1, $0xFFFFFFFF, v4;
	v5 =	vand.u32 $0x1F, v5;
	v2 =	vand.u32 $0x1FE00, v2  }
0x42: {  	p0 =	sgt.s32 s22, $0x0;
	v5 =	vsel vm1, $0xFFFFFFFF, v5;
	v2 =	vsel vm1, $0xFFFFFE00, v2;
	v6 =	vand.u32 $0xFFFFFE00, v4  }
0x43: {  	s22 =	simm.s32 @!p0 $0x0;
	v2 =	vadd.s32 v6, v2;
	v62 =	vand.u32 $0xFFFFFE00, v5;
	v5 =	vshll.u32 v5, $0x2  }
0x44: {  	v3 =	vshrl.u32 v3, $0x2;
	s22 =	smin.u32 s22, $0x10;
	v2 =	vadd.s32 v62, v2;
	v5 =	vand.u32 $0x1FC, v5  }
0x45: {  	v3 =	vnsel vm2, $0x7FFFFFFF, v3;
	v63 =	vmov s22;
	v2 =	vor.u32 v5, v2  }
0x46: {  	vm1 =	vgt.u32 v63, v0;
	v2 =	vshrl.u32 v2, $0x2  }
0x47: {  	v2 =	vnsel vm1, $0x7FFFFFFF, v2  }
0x48: {  	v1 =	vand.u32 $0x3, v1  }
0x49: {  	s31 =	sadd.s32 $0x10, s21;
	[tilespmem:s19+$0x0] =	vst v1;
	(ifvalue) =	ssetifvalue $0x7FFFFFFF  }
0x4a: {  	v1 =	vand.u32 $0x3, v4;
	[tilespmem:s31], [sflag:$0x3] =	stream.indirect_vreg.gather [hbm4b:s3+s10], $0x1, v3, vm0, $0x4038;
	[tilespmem:$0xB00] =	vst v63  }
0x4b: {  	s19 =	sadd.s32 $0x10, s31;
	[tilespmem:s20+$0x0] =	vst v1;
	(ifvalue) =	ssetifvalue $0x7FFFFFFF  }
0x4c: {  	[tilespmem:s19], [sflag:$0x3] =	stream.indirect_vreg.gather [hbm4b:s3+s10], $0x1, v2, vm0, $0x4038;
	[tilespmem:$0xB00] =	vst v63  }
.LBB2_5:
0x4d: {  	p0 =	slt.u32 s17, $0x2  }
0x4e: {  	p1 =	sge.u32 @!p0 s17, s11  }
0x4f: {  	p0 =	por p0, p1  }
.Ltmp4:
0x50: {  	_ = 	snop;
	(pc) =	sbr.rel @p0 .LBB2_7-.Ltmp4, $1  }
0x51: {  	_ =	sdelay $0x3  }
0x52: {  	s19 =	sadd.s32 $0xFFFFFFFE, s17  }
0x53: {  	s20 =	smulhi.u32 $0xAAAAAAAB, s19  }
0x54: {  	_ =	swait.ge [sflag:s8], $0x200  }
0x55: {  	s21 =	sand.u32 $0x1, s17;
	[sflag:s8] =	ssyncset.done $0x0;
	s20 =	sshrl.u32 s20, $0x1  }
0x56: {  	s28 =	sshll.u32 s21, $0x9;
	[sflag:s8] =	ssyncadd.s32 $0xFFFFFE00;
	s20 =	smul.u32 $0x3, s20  }
0x57: {  	v1 =	vld [tilespmem:s28+$0x600]  }
0x58: {  	v3 =	vld [tilespmem:s28+$0x680];
	s20 =	ssub.s32 s19, s20  }
0x59: {  	v6 =	vld [tilespmem:s28+$0x700];
	s20 =	sshll.u32 s20, $0x9  }
0x5a: {  	v2 =	vld [tilespmem:s20+$0x0]  }
0x5b: {  	v4 =	vld [tilespmem:s20+$0x80]  }
0x5c: {  	v5 =	vld [tilespmem:s20+$0x100]  }
0x5d: {  	v7 =	vld [tilespmem:s20+$0x180];
	_ =	sdelay $0x1  }
0x5e: {  	v8 =	vld [tilespmem:s28+$0x780]  }
0x5f: {  	v2 =	vshll.u32 v2, $0x3;
	v4 =	vshll.u32 v4, $0x3  }
0x60: {  	v1 =	vshrl.u32 v1, v2;
	v2 =	vshrl.u32 v3, v4;
	v3 =	vshll.u32 v5, $0x3  }
0x61: {  	v21 =	vshll.u32 v7, $0x3;
	v2 =	vshll.u32 v2, $0x8;
	v3 =	vshrl.u32 v6, v3  }
0x62: {  	v1 =	vand.u32 $0xFF, v1;
	v2 =	vand.u32 $0xFF00, v2;
	v3 =	vshll.u32 v3, $0x10  }
0x63: {  	v1 =	vor.u32 v1, v2;
	v2 =	vand.u32 $0xFF0000, v3;
	v3 =	vshrl.u32 v8, v21  }
0x64: {  	v1 =	vor.u32 v2, v1;
	v2 =	vshll.u32 v3, $0x18  }
0x65: {  	s21 =	sshll.u32 s21, $0x7;
	v1 =	vor.u32 v2, v1  }
0x66: {  	[tilespmem:s21+$0xA00] =	vst v1  }
0x67: {  	v1 =	vld [tilespmem:s28+$0x610]  }
0x68: {  	v2 =	vld [tilespmem:s20+$0x10]  }
0x69: {  	v3 =	vld [tilespmem:s28+$0x690]  }
0x6a: {  	v22 =	vld [tilespmem:s20+$0x90]  }
0x6b: {  	v23 =	vld [tilespmem:s20+$0x110]  }
0x6c: {  	v24 =	vld [tilespmem:s28+$0x710]  }
0x6d: {  	v25 =	vld [tilespmem:s20+$0x190];
	_ =	sdelay $0x1  }
0x6e: {  	v26 =	vld [tilespmem:s28+$0x790]  }
0x6f: {  	v2 =	vshll.u32 v2, $0x3;
	v4 =	vshll.u32 v22, $0x3  }
0x70: {  	v1 =	vshrl.u32 v1, v2;
	v2 =	vshrl.u32 v3, v4;
	v3 =	vshll.u32 v23, $0x3  }
0x71: {  	v27 =	vshll.u32 v25, $0x3;
	v2 =	vshll.u32 v2, $0x8;
	v3 =	vshrl.u32 v24, v3  }
0x72: {  	v1 =	vand.u32 $0xFF, v1;
	v2 =	vand.u32 $0xFF00, v2;
	v3 =	vshll.u32 v3, $0x10  }
0x73: {  	v1 =	vor.u32 v1, v2;
	v2 =	vand.u32 $0xFF0000, v3;
	v3 =	vshrl.u32 v26, v27  }
0x74: {  	v1 =	vor.u32 v2, v1;
	v2 =	vshll.u32 v3, $0x18  }
0x75: {  	v1 =	vor.u32 v2, v1  }
0x76: {  	[tilespmem:s21+$0xA10] =	vst v1  }
0x77: {  	v1 =	vld [tilespmem:s28+$0x620]  }
0x78: {  	v2 =	vld [tilespmem:s20+$0x20]  }
0x79: {  	v3 =	vld [tilespmem:s28+$0x6A0]  }
0x7a: {  	v28 =	vld [tilespmem:s20+$0xA0]  }
0x7b: {  	v29 =	vld [tilespmem:s20+$0x120]  }
0x7c: {  	v30 =	vld [tilespmem:s28+$0x720]  }
0x7d: {  	v31 =	vld [tilespmem:s20+$0x1A0];
	_ =	sdelay $0x1  }
0x7e: {  	v32 =	vld [tilespmem:s28+$0x7A0]  }
0x7f: {  	v2 =	vshll.u32 v2, $0x3;
	v4 =	vshll.u32 v28, $0x3  }
0x80: {  	v1 =	vshrl.u32 v1, v2;
	v2 =	vshrl.u32 v3, v4;
	v3 =	vshll.u32 v29, $0x3  }
0x81: {  	v33 =	vshll.u32 v31, $0x3;
	v2 =	vshll.u32 v2, $0x8;
	v3 =	vshrl.u32 v30, v3  }
0x82: {  	v1 =	vand.u32 $0xFF, v1;
	v2 =	vand.u32 $0xFF00, v2;
	v3 =	vshll.u32 v3, $0x10  }
0x83: {  	v1 =	vor.u32 v1, v2;
	v2 =	vand.u32 $0xFF0000, v3;
	v3 =	vshrl.u32 v32, v33  }
0x84: {  	v1 =	vor.u32 v2, v1;
	v2 =	vshll.u32 v3, $0x18  }
0x85: {  	v1 =	vor.u32 v2, v1  }
0x86: {  	[tilespmem:s21+$0xA20] =	vst v1  }
0x87: {  	v1 =	vld [tilespmem:s28+$0x630]  }
0x88: {  	v2 =	vld [tilespmem:s20+$0x30]  }
0x89: {  	v3 =	vld [tilespmem:s28+$0x6B0]  }
0x8a: {  	v34 =	vld [tilespmem:s20+$0xB0]  }
0x8b: {  	v35 =	vld [tilespmem:s20+$0x130]  }
0x8c: {  	v36 =	vld [tilespmem:s28+$0x730]  }
0x8d: {  	v37 =	vld [tilespmem:s20+$0x1B0];
	_ =	sdelay $0x1  }
0x8e: {  	v38 =	vld [tilespmem:s28+$0x7B0]  }
0x8f: {  	v2 =	vshll.u32 v2, $0x3;
	v4 =	vshll.u32 v34, $0x3  }
0x90: {  	v1 =	vshrl.u32 v1, v2;
	v2 =	vshrl.u32 v3, v4;
	v3 =	vshll.u32 v35, $0x3  }
0x91: {  	v39 =	vshll.u32 v37, $0x3;
	v2 =	vshll.u32 v2, $0x8;
	v3 =	vshrl.u32 v36, v3  }
0x92: {  	v1 =	vand.u32 $0xFF, v1;
	v2 =	vand.u32 $0xFF00, v2;
	v3 =	vshll.u32 v3, $0x10  }
0x93: {  	v1 =	vor.u32 v1, v2;
	v2 =	vand.u32 $0xFF0000, v3;
	v3 =	vshrl.u32 v38, v39  }
0x94: {  	v1 =	vor.u32 v2, v1;
	v2 =	vshll.u32 v3, $0x18  }
0x95: {  	v1 =	vor.u32 v2, v1  }
0x96: {  	[tilespmem:s21+$0xA30] =	vst v1  }
0x97: {  	v1 =	vld [tilespmem:s28+$0x640]  }
0x98: {  	v2 =	vld [tilespmem:s20+$0x40]  }
0x99: {  	v3 =	vld [tilespmem:s28+$0x6C0]  }
0x9a: {  	v40 =	vld [tilespmem:s20+$0xC0]  }
0x9b: {  	v41 =	vld [tilespmem:s20+$0x140]  }
0x9c: {  	v42 =	vld [tilespmem:s28+$0x740]  }
0x9d: {  	v43 =	vld [tilespmem:s20+$0x1C0];
	_ =	sdelay $0x1  }
0x9e: {  	v44 =	vld [tilespmem:s28+$0x7C0]  }
0x9f: {  	v2 =	vshll.u32 v2, $0x3;
	v4 =	vshll.u32 v40, $0x3  }
0xa0: {  	v1 =	vshrl.u32 v1, v2;
	v2 =	vshrl.u32 v3, v4;
	v3 =	vshll.u32 v41, $0x3  }
0xa1: {  	v45 =	vshll.u32 v43, $0x3;
	v2 =	vshll.u32 v2, $0x8;
	v3 =	vshrl.u32 v42, v3  }
0xa2: {  	v1 =	vand.u32 $0xFF, v1;
	v2 =	vand.u32 $0xFF00, v2;
	v3 =	vshll.u32 v3, $0x10  }
0xa3: {  	v1 =	vor.u32 v1, v2;
	v2 =	vand.u32 $0xFF0000, v3;
	v3 =	vshrl.u32 v44, v45  }
0xa4: {  	v1 =	vor.u32 v2, v1;
	v2 =	vshll.u32 v3, $0x18  }
0xa5: {  	v1 =	vor.u32 v2, v1  }
0xa6: {  	[tilespmem:s21+$0xA40] =	vst v1  }
0xa7: {  	v1 =	vld [tilespmem:s28+$0x650]  }
0xa8: {  	v2 =	vld [tilespmem:s20+$0x50]  }
0xa9: {  	v3 =	vld [tilespmem:s28+$0x6D0]  }
0xaa: {  	v46 =	vld [tilespmem:s20+$0xD0]  }
0xab: {  	v47 =	vld [tilespmem:s20+$0x150]  }
0xac: {  	v48 =	vld [tilespmem:s28+$0x750]  }
0xad: {  	v49 =	vld [tilespmem:s20+$0x1D0];
	_ =	sdelay $0x1  }
0xae: {  	v50 =	vld [tilespmem:s28+$0x7D0]  }
0xaf: {  	v2 =	vshll.u32 v2, $0x3;
	v4 =	vshll.u32 v46, $0x3  }
0xb0: {  	v1 =	vshrl.u32 v1, v2;
	v2 =	vshrl.u32 v3, v4;
	v3 =	vshll.u32 v47, $0x3  }
0xb1: {  	v51 =	vshll.u32 v49, $0x3;
	v2 =	vshll.u32 v2, $0x8;
	v3 =	vshrl.u32 v48, v3  }
0xb2: {  	v1 =	vand.u32 $0xFF, v1;
	v2 =	vand.u32 $0xFF00, v2;
	v3 =	vshll.u32 v3, $0x10  }
0xb3: {  	v1 =	vor.u32 v1, v2;
	v2 =	vand.u32 $0xFF0000, v3;
	v3 =	vshrl.u32 v50, v51  }
0xb4: {  	v1 =	vor.u32 v2, v1;
	v2 =	vshll.u32 v3, $0x18  }
0xb5: {  	v1 =	vor.u32 v2, v1  }
0xb6: {  	[tilespmem:s21+$0xA50] =	vst v1  }
0xb7: {  	v1 =	vld [tilespmem:s28+$0x660]  }
0xb8: {  	v2 =	vld [tilespmem:s20+$0x60]  }
0xb9: {  	v3 =	vld [tilespmem:s28+$0x6E0]  }
0xba: {  	v52 =	vld [tilespmem:s20+$0xE0]  }
0xbb: {  	v53 =	vld [tilespmem:s20+$0x160]  }
0xbc: {  	v54 =	vld [tilespmem:s28+$0x760]  }
0xbd: {  	v55 =	vld [tilespmem:s20+$0x1E0];
	_ =	sdelay $0x1  }
0xbe: {  	v56 =	vld [tilespmem:s28+$0x7E0]  }
0xbf: {  	v2 =	vshll.u32 v2, $0x3;
	v4 =	vshll.u32 v52, $0x3  }
0xc0: {  	v1 =	vshrl.u32 v1, v2;
	v2 =	vshrl.u32 v3, v4;
	v3 =	vshll.u32 v53, $0x3  }
0xc1: {  	v57 =	vshll.u32 v55, $0x3;
	v2 =	vshll.u32 v2, $0x8;
	v3 =	vshrl.u32 v54, v3  }
0xc2: {  	v1 =	vand.u32 $0xFF, v1;
	v2 =	vand.u32 $0xFF00, v2;
	v3 =	vshll.u32 v3, $0x10  }
0xc3: {  	v1 =	vor.u32 v1, v2;
	v2 =	vand.u32 $0xFF0000, v3;
	v3 =	vshrl.u32 v56, v57  }
0xc4: {  	v1 =	vor.u32 v2, v1;
	v2 =	vshll.u32 v3, $0x18  }
0xc5: {  	v1 =	vor.u32 v2, v1  }
0xc6: {  	[tilespmem:s21+$0xA60] =	vst v1  }
0xc7: {  	v1 =	vld [tilespmem:s28+$0x670]  }
0xc8: {  	v2 =	vld [tilespmem:s20+$0x70]  }
0xc9: {  	v3 =	vld [tilespmem:s28+$0x6F0]  }
0xca: {  	v58 =	vld [tilespmem:s20+$0xF0]  }
0xcb: {  	v59 =	vld [tilespmem:s20+$0x170]  }
0xcc: {  	v60 =	vld [tilespmem:s28+$0x770]  }
0xcd: {  	v61 =	vld [tilespmem:s20+$0x1F0];
	_ =	sdelay $0x1  }
0xce: {  	v62 =	vld [tilespmem:s28+$0x7F0]  }
0xcf: {  	v2 =	vshll.u32 v2, $0x3;
	v4 =	vshll.u32 v58, $0x3  }
0xd0: {  	v1 =	vshrl.u32 v1, v2;
	v2 =	vshrl.u32 v3, v4;
	v3 =	vshll.u32 v59, $0x3  }
0xd1: {  	v63 =	vshll.u32 v61, $0x3;
	v3 =	vshrl.u32 v60, v3;
	v2 =	vshll.u32 v2, $0x8  }
0xd2: {  	v1 =	vand.u32 $0xFF, v1;
	v2 =	vand.u32 $0xFF00, v2;
	v3 =	vshll.u32 v3, $0x10  }
.Ltmp5:
0xd3: {  	v1 =	vor.u32 v1, v2;
	v2 =	vshrl.u32 v62, v63;
	v3 =	vand.u32 $0xFF0000, v3;
	(pc) =	sbr.rel .LBB2_7-.Ltmp5, $4  }
0xd4: {  	v1 =	vor.u32 v3, v1;
	v2 =	vshll.u32 v2, $0x18  }
0xd5: {  	s29 =	sshrl.u32 s18, $0x2;
	s30 =	sshrl.u32 s18, $0x5;
	v1 =	vor.u32 v2, v1  }
0xd6: {  	s18 =	sadd.s32 s30, s6;
	s31 =	sor.u32 $0xA00, s21;
	s19 =	sand.u32 $0x7, s29;
	[tilespmem:s21+$0xA70] =	vst v1  }
0xd7: {  	[hbm4b:s18+s19] =	stream.linear.scatter [tilespmem:s31], [sflag:$0x4], $0x80, $0x38;
	[tilespmem:$0xB00] =	vst v63  }
.LBB2_8:
0xd8: {  	_ =	sfence.sel $0x180000  }
0xd9: {  	s2 =	simm.s32 $0x2;
	[bflag:$0x0] =	sbarrier.arrive $0xFFFF  }
0xda: {  	s29 =	simm.s32 $0x3;
	[sflag:s2] =	ssyncpa.u1 $0x1  }
0xdb: {  	s30 =	simm.s32 $0x4;
	[sflag:s29] =	ssyncpa.u1 $0x1  }
0xdc: {  	s31 =	simm.s32 $0x1;
	[sflag:s30] =	ssyncpa.u1 $0x1  }
0xdd: {  	[sflag:s31] =	ssyncpa.u1 $0x1  }
0xde: {  	p0 =	sne.s32 s0, $0x0;
	_ =	strace $0x9000004A  }
0xdf: {  	s0 =	sadd.s32 @!p0 $0x100000, s1;
	[bflag:$0x2] =	sbarrier.arrive $0xFFFF  }
0xe0: {  	[sflag:s0] =	ssyncadd.tile.s32 @!p0 $0x1;
	_ =	shalt  }
.Lfunc_end2:
_tile_overlayer_lowered:
.L_overlay_start_2:
0xe1: {  	(tag) =	ssettag $0x2  }
0xe2: {  	s0 =	rddreg [dreg:$0x0];
	s2 =	stileid.u32  }
0xe3: {  	s1 =	rddreg [dreg:$0x1];
	p0 =	sne.s32 s2, $0x0  }
0xe4: {  	s3 =	rddreg [dreg:$0x2];
	[bflag:$0x3] =	sbarrier.arrive $0xFFFF;
	s2 =	simm.s32 @!p0 $0x1C01  }
0xe5: {  	[timem:s3], [sflag:s2] =	dma.local @!p0 [hbm:s0], s1  }
0xe6: {  	s0 =	simm.s32 @!p0 $0x1  }
0xe7: {  	_ =	swait.ge @!p0 [sflag:s0], s1  }
0xe8: {  	s1 =	ssub.s32 @!p0 $0x0, s1;
	[sflag:s0] =	ssyncset.done @!p0 $0x0  }
0xe9: {  	[sflag:s0] =	ssyncadd.s32 @!p0 s1  }
0xea: {  	[bflag:$0x3] =	sbarrier.arrive $0xFFFF  }
0xeb: {  	_ =	shalt  }

// kernel: gather_offload_async_start.2
scs
__scs_entry_jumppad:
0x0: {  	(pc) =	sbr.rel $0x88, $3  }
0x1: {  	(tag) =	ssettag $0x0;
	lr =	simm.s32 $0x1  }
0x2: {  	[smem:$0x3F9E] =	sst lr;
	_ =	strace $0xD0000000  }
0x3: {  	_ = 	snop  }
0x4: {  	_ = 	snop  }
0x5: {  	_ = 	snop  }
0x6: {  	_ = 	snop  }
0x7: {  	_ = 	snop  }
__scs_overlays_trampoline_lowered:
0x8: {  	[smem:$0x3FAD] =	sst s0  }
0x9: {  	[smem:$0x3FAE] =	sst s1  }
0xa: {  	[smem:$0x3FAF] =	sst s2  }
0xb: {  	[smem:$0x3FB0] =	sst s3  }
0xc: {  	[smem:$0x3FB1] =	sst s4  }
0xd: {  	[smem:$0x3FB2] =	sst s5  }
0xe: {  	[smem:$0x3FB3] =	sst s6  }
0xf: {  	[smem:$0x3FB4] =	sst s7  }
0x10: {  	[smem:$0x3FB5] =	sst s8  }
0x11: {  	[smem:$0x3FB6] =	sst s9;
	s0 =	simm.s32 @!p0 $0x0  }
0x12: {  	s1 =	sld [smem:$0x3F9C];
	s0 =	simm.s32 @p0 $0x1  }
0x13: {  	[smem:$0x3FB7] =	sst s0;
	s0 =	simm.s32 @!p1 $0x0  }
0x14: {  	s2 =	sld [smem:$0x3F9B];
	s0 =	simm.s32 @p1 $0x1  }
0x15: {  	[smem:$0x3FB8] =	sst s0;
	s0 =	simm.s32 @!p2 $0x0  }
0x16: {  	s3 =	sld [smem:$0x3FDB];
	s0 =	simm.s32 @p2 $0x1  }
0x17: {  	s4 =	simm.s32 $0x1BF5;
	[smem:$0x3FBA] =	sst s0  }
0x18: {  	s0 =	sld [smem:$0x3F9D];
	_ =	swait.ge [sflag:s4], $0x0  }
0x19: {  	s7 =	sld [smem:$0x3F9E]  }
0x1a: {  	s8 =	sadd.s32 $0xFFFFE003, lr  }
0x1b: {  	s9 =	sadd.s32 $0xFFFFFEF7, lr;
	s5 =	simm.s32 $0xFFFFFFFF;
	p2 =	slt.u32 s8, $0xFFFFF086  }
0x1c: {  	p1 =	slt.u32 s9, $0xF7A;
	s5 =	simm.s32 @!p2 $0x0  }
0x1d: {  	s5 =	simm.s32 @p1 $0x1;
	p0 =	seq.s32 s7, s2  }
0x1e: {  	s7 =	smul.u32 @!p0 $0xF7A, s2;
	p2 =	seq.s32 @!p0 s5, $0x0  }
0x1f: {  	s9 =	smul.u32 $0xF7A, s1;
	s8 =	simm.s32 @!p0 $0x1BF5;
	p2 =	por !p2, p0  }
0x20: {  	[sflag:s8] =	ssyncset.s32 @!p0 $0xFFFFF086;
	s6 =	sadd.s32 @!p0 s3, s7;
	s7 =	simm.s32 @!p0 $0x108  }
0x21: {  	s3 =	sadd.s32 s3, s9;
	s6 =	sadd.s32 @!p0 $0x88, s6;
	s7 =	simm.s32 @p2 $0x1082  }
0x22: {  	[simem:s7], [sflag:s8] =	dma.local @!p0 [hbm:s6], $0xF7A  }
0x23: {  	s9 =	sor.u32 $0xD0000000, s2;
	s6 =	simm.s32 $0x108;
	_ =	swait.ge @!p0 [sflag:s8], $0x0  }
0x24: {  	s3 =	sadd.s32 $0x88, s3;
	s6 =	simm.s32 @!p1 $0x1082;
	[sflag:s4] =	ssyncset.s32 $0xFFFFF086  }
0x25: {  	[simem:s6], [sflag:s4] =	dma.local [hbm:s3], $0xF7A  }
0x26: {  	[smem:$0x3F9E] =	sst s1;
	(tag) =	ssettag s2;
	_ =	strace s9  }
0x27: {  	s1 =	sld [smem:$0x3FAE]  }
0x28: {  	s2 =	sld [smem:$0x3FAF]  }
0x29: {  	s4 =	sld [smem:$0x3FB1]  }
0x2a: {  	p0 =	seq.s32 s5, $0x0;
	s5 =	sld [smem:$0x3FB2]  }
0x2b: {  	s6 =	sld [smem:$0x3FB3]  }
0x2c: {  	s7 =	sld [smem:$0x3FB4]  }
0x2d: {  	s3 =	simm.s32 $0x108;
	s8 =	sld [smem:$0x3FB5]  }
0x2e: {  	s3 =	simm.s32 @!p0 $0x1082;
	s9 =	sld [smem:$0x3FB6]  }
0x2f: {  	lr =	sadd.s32 s0, s3;
	s0 =	sld [smem:$0x3FAD]  }
0x30: {  	s3 =	sld [smem:$0x3FB0]  }
0x31: {  	[smem:$0x3FB9] =	sst s10  }
0x32: {  	s10 =	sld [smem:$0x3FB7];
	_ =	sdelay $0x3  }
0x33: {  	p0 =	seq.s32 s10, $0x1;
	s10 =	sld [smem:$0x3FB9];
	_ =	sdelay $0x3  }
0x34: {  	[smem:$0x3FB9] =	sst s10  }
0x35: {  	s10 =	sld [smem:$0x3FB8];
	_ =	sdelay $0x3  }
0x36: {  	p1 =	seq.s32 s10, $0x1;
	s10 =	sld [smem:$0x3FB9];
	_ =	sdelay $0x3  }
0x37: {  	[smem:$0x3FB9] =	sst s10  }
0x38: {  	s10 =	sld [smem:$0x3FBA]  }
0x39: {  	_ = 	snop;
	(pc) =	sbr.ind lr, $3  }
0x3a: {  	_ = 	snop  }
0x3b: {  	_ = 	snop  }
0x3c: {  	p2 =	seq.s32 s10, $0x1;
	s10 =	sld [smem:$0x3FB9]  }
0x3d: {  	_ =	shalt  }
0x3e: {  	_ =	shalt  }
0x3f: {  	_ =	shalt  }
0x40: {  	_ =	shalt  }
0x41: {  	_ =	shalt  }
0x42: {  	_ =	shalt  }
0x43: {  	_ =	shalt  }
0x44: {  	_ =	shalt  }
0x45: {  	_ =	shalt  }
0x46: {  	_ =	shalt  }
0x47: {  	_ =	shalt  }
0x48: {  	_ =	shalt  }
0x49: {  	_ =	shalt  }
0x4a: {  	_ =	shalt  }
0x4b: {  	_ =	shalt  }
0x4c: {  	_ =	shalt  }
0x4d: {  	_ =	shalt  }
0x4e: {  	_ =	shalt  }
0x4f: {  	_ =	shalt  }
0x50: {  	_ =	shalt  }
0x51: {  	_ =	shalt  }
0x52: {  	_ =	shalt  }
0x53: {  	_ =	shalt  }
0x54: {  	_ =	shalt  }
0x55: {  	_ =	shalt  }
0x56: {  	_ =	shalt  }
0x57: {  	_ =	shalt  }
0x58: {  	_ =	shalt  }
0x59: {  	_ =	shalt  }
0x5a: {  	_ =	shalt  }
0x5b: {  	_ =	shalt  }
0x5c: {  	_ =	shalt  }
0x5d: {  	_ =	shalt  }
0x5e: {  	_ =	shalt  }
0x5f: {  	_ =	shalt  }
0x60: {  	_ =	shalt  }
0x61: {  	_ =	shalt  }
0x62: {  	_ =	shalt  }
0x63: {  	_ =	shalt  }
0x64: {  	_ =	shalt  }
0x65: {  	_ =	shalt  }
0x66: {  	_ =	shalt  }
0x67: {  	_ =	shalt  }
0x68: {  	_ =	shalt  }
0x69: {  	_ =	shalt  }
0x6a: {  	_ =	shalt  }
0x6b: {  	_ =	shalt  }
0x6c: {  	_ =	shalt  }
0x6d: {  	_ =	shalt  }
0x6e: {  	_ =	shalt  }
0x6f: {  	_ =	shalt  }
0x70: {  	_ =	shalt  }
0x71: {  	_ =	shalt  }
0x72: {  	_ =	shalt  }
0x73: {  	_ =	shalt  }
0x74: {  	_ =	shalt  }
0x75: {  	_ =	shalt  }
0x76: {  	_ =	shalt  }
0x77: {  	_ =	shalt  }
0x78: {  	_ =	shalt  }
0x79: {  	_ =	shalt  }
0x7a: {  	_ =	shalt  }
0x7b: {  	_ =	shalt  }
0x7c: {  	_ =	shalt  }
0x7d: {  	_ =	shalt  }
0x7e: {  	_ =	shalt  }
0x7f: {  	_ =	shalt  }
0x80: {  	_ =	shalt  }
0x81: {  	_ =	shalt  }
0x82: {  	_ =	shalt  }
0x83: {  	_ =	shalt  }
0x84: {  	_ =	shalt  }
0x85: {  	_ =	shalt  }
0x86: {  	_ =	shalt  }
0x87: {  	_ =	shalt  }
.Lfunc_end0:
.L_simem_size_0:
called_computation.2_lowered:
.L_overlay_start_0:
0x88: {  	s2 =	sld [smem:$0x3FD9]  }
0x89: {  	s3 =	sld [smem:$0x3FFE];
	_ =	sdelay $0x1  }
0x8a: {  	s1 =	srdreg.scid  }
0x8b: {  	s0 =	sand.u32 $0x1, s1  }
0x8c: {  	s17 =	sshll.u32 s0, $0xA;
	s2 =	sadd.s32 s3, s2  }
0x8d: {  	s2 =	sadd.s32 s2, s17  }
0x8e: {  	[smem:$0x3FC5] =	sst s2  }
0x8f: {  	_ = 	snop  }
0x90: {  	s18 =	sld [smem:$0x3FD0];
	(tm) =	ssettm $0x1  }
0x91: {  	s19 =	sld [smem:$0x3FFB];
	_ =	sdelay $0x3  }
0x92: {  	_ =	strace s19  }
0x93: {  	s2 =	sld [smem:$0x3FFC];
	_ =	sdelay $0x3  }
0x94: {  	_ =	strace s2  }
0x95: {  	s2 =	sld [smem:$0x3FFD];
	_ =	sdelay $0x3  }
0x96: {  	_ =	strace s2  }
0x97: {  	_ =	strace $0x8FFFFFFF  }
0x98: {  	s20 =	sld [smem:$0x3FDB];
	_ =	sdelay $0x1  }
0x99: {  	s4 =	simm.s32 $_scs_section_size  }
0x9a: {  	s5 =	simm.s32 $_size__tile_overlayer_lowered;
	s6 =	simm.s32 $_tile_overlayer_lowered  }
0x9b: {  	s7 =	simm.s32 $0x1BFF;
	s21 =	sshll.u32 s6, $0x1;
	s4 =	sadd.s32 s4, s20  }
0x9c: {  	s22 =	simm.s32 $0x0;
	s5 =	sshll.u32 s5, $0x1;
	s6 =	sadd.s32 s21, s4  }
0x9d: {  	[timem:s22], [sflag:s7] =	dma.local [hbm:s6], s5  }
0x9e: {  	_ =	swait.ge [sflag:s7], s5  }
0x9f: {  	s5 =	ssub.s32 $0x0, s5;
	[sflag:s7] =	ssyncset.done $0x0  }
0xa0: {  	[sflag:s7] =	ssyncadd.s32 s5;
	_ =	sdelay $0x1  }
0xa1: {  	s23 =	simm.s32 $0x1B8B  }
0xa2: {  	_ =	swait.ge [sflag:s23], $0x1  }
0xa3: {  	[sflag:s23] =	ssyncset.done $0x0  }
0xa4: {  	[sflag:s23] =	ssyncadd.s32 $0xFFFFFFFF  }
0xa5: {  	s5 =	sld [smem:$0x0]  }
0xa6: {  	s6 =	sand.u32 $0xFFFFFFFE, s1  }
0xa7: {  	p0 =	sne.s32 s1, s6  }
0xa8: {  	s6 =	sshll.u32 @p0 s6, $0xE  }
0xa9: {  	s6 =	sadd.s32 @p0 $0x11B8D, s6;
	s7 =	sshll.u32 @p0 s5, $0x11  }
0xaa: {  	s6 =	sor.u32 @p0 s7, s6  }
0xab: {  	[sflag:s6] =	ssyncadd.remote.s32 @p0 $0x1;
	_ =	sdelay $0x1  }
0xac: {  	s6 =	simm.s32 @p0 $0x1B8D  }
0xad: {  	_ =	swait.eq @p0 [sflag:s6], $0x1  }
0xae: {  	[sflag:s6] =	ssyncadd.s32 @p0 $0xFFFFFFFF  }
0xaf: {  	s7 =	sshll.u32 @!p0 s1, $0xE  }
0xb0: {  	s7 =	sor.u32 @!p0 $0x4000, s7;
	s6 =	simm.s32 @!p0 $0x1B8D  }
0xb1: {  	s5 =	sshll.u32 @!p0 s5, $0x11;
	s7 =	sadd.s32 @!p0 $0x11B8D, s7;
	_ =	swait.eq @!p0 [sflag:s6], $0x1  }
0xb2: {  	s5 =	sor.u32 @!p0 s5, s7;
	[sflag:s6] =	ssyncadd.s32 @!p0 $0xFFFFFFFF  }
0xb3: {  	s25 =	simm.s32 $0x1B8E;
	s24 =	sld [smem:$0x3FFE];
	[sflag:s5] =	ssyncadd.remote.s32 @!p0 $0x1  }
0xb4: {  	s26 =	simm.s32 $execute0_lowered;
	[smem:$0x3FD2] =	sst s25  }
0xb5: {  	s6 =	sshll.u32 s26, $0x1;
	_ =	strace $0x8000004C;
	[dreg:$0x1] =	wrdreg $0xFFFFFFFF  }
0xb6: {  	s28 =	simm.s32 $_size_execute0_lowered;
	s4 =	sadd.s32 s4, s6;
	[dreg:$0x0] =	wrdreg $0x0  }
0xb7: {  	s6 =	sshll.u32 s28, $0x1;
	[dreg:$0x2] =	wrdreg s4  }
0xb8: {  	[dreg:$0x3] =	wrdreg s6  }
0xb9: {  	[dreg:$0x4] =	wrdreg $0xC0  }
0xba: {  	_ =	task [dreg:s22], $0x5FFFF  }
0xbb: {  	[dreg:$0x1] =	wrdreg $0xFFFFFFFF  }
0xbc: {  	[dreg:$0x0] =	wrdreg $0x60  }
0xbd: {  	[dreg:$0x2] =	wrdreg s18  }
0xbe: {  	[dreg:$0x3] =	wrdreg s24  }
0xbf: {  	[dreg:$0x4] =	wrdreg $0xA  }
0xc0: {  	_ =	task.clear_ibuf [dreg:s22], $0x5FFFF;
	_ =	strace $0x9000004C  }
0xc1: {  	s29 =	simm.s32 $0xA;
	_ =	strace $0x8000004E  }
0xc2: {  	_ =	swait.ge [sflag:s29], $0x1  }
0xc3: {  	[sflag:s29] =	ssyncadd.s32 $0xFFFFFFFF  }
0xc4: {  	_ =	strace $0x9000004E  }
0xc5: {  	_ =	sfence  }
0xc6: {  	s30 =	sld [smem:$0x0];
	_ =	sdelay $0x2  }
0xc7: {  	s31 =	sshll.u32 s1, $0xD;
	s1 =	sshrl.u32 s1, $0x2  }
0xc8: {  	s4 =	sand.u32 $0x4000, s31;
	s1 =	sadd.s32 s1, s30  }
0xc9: {  	s0 =	sor.u32 s4, s0;
	s1 =	sshll.u32 s1, $0x11  }
0xca: {  	s0 =	sor.u32 s1, s0  }
0xcb: {  	s0 =	sadd.s32 $0x8F2B, s0  }
0xcc: {  	[sflag:s0] =	ssyncadd.remote.s32 $0x1  }
0xcd: {  	_ =	sfence.sel $0xFFFF  }
0xce: {  	[dreg:$0x0] =	wrdreg $0xFFFFFFFF;
	(pc) =	sbr.abs _section_cstart, $3  }
0xcf: {  	[dreg:$0x1] =	wrdreg $0xFFFFFFFF  }
0xd0: {  	_ =	task.clear_ibuf [dreg:s22], $0x2FFFF;
	_ =	strace $0x9FFFFFFF  }
0xd1: {  	(tm) =	ssettm $0x7FFFFFFF  }
tec
execute0_lowered:
.L_overlay_start_1:
0x0: {  	(tag) =	ssettag $0x1  }
0x1: {  	s2 =	rddreg [dreg:$0x0]  }
0x2: {  	s8 =	rddreg [dreg:$0x1]  }
0x3: {  	s0 =	rddreg [dreg:$0x2];
	s1 =	stileid.u32  }
0x4: {  	s3 =	srdreg.scid;
	_ =	strace $0x8000004D;
	s4 =	simm.s32 $0x1  }
0x5: {  	s7 =	simm.s32 $0x1;
	s9 =	simm.s32 $0x1;
	s10 =	simm.s32 $0x3  }
0x6: {  	s13 =	simm.s32 $0x0;
	s5 =	sand.u32 $0x1, s3;
	s6 =	sshll.u32 s1, $0x1  }
0x7: {  	s12 =	simm.s32 $0x0;
	s3 =	sadd.s32 $0xE00, s8;
	s5 =	sor.u32 s6, s5  }
.Ltmp0:
0x8: {  	[sflag:s4] =	ssyncpa.u1 $0x0;
	p0 =	slt.u32 s5, $0xB;
	(pc) =	sbr.rel .LBB2_1-.Ltmp0, $4  }
0x9: {  	s6 =	simm.s32 $0x2;
	s7 =	simm.s32 @!p0 $0x0;
	p0 =	sne.s32 s5, $0xA  }
0xa: {  	[sflag:s6] =	ssyncpa.u1 $0x0;
	s5 =	smul.u32 $0x190, s5;
	s9 =	simm.s32 @!p0 $0x0  }
0xb: {  	s8 =	sadd.s32 $0x1C00, s8;
	[sflag:s10] =	ssyncpa.u1 $0x0;
	s7 =	sadd.s32 s9, s7  }
0xc: {  	vm0 =	vmmov $0xffff;
	s10 =	simm.s32 $0x0;
	s11 =	smov.u32 s5;
	s9 =	sadd.s32 $0x1, s7  }
.LBB2_4:
0xd: {  	v5 =	vshrl.u32 v1, $0x2;
	v6 =	vshll.u32 v1, $0x2  }
0xe: {  	v3 =	vor.u32 v4, v3;
	vm1 =	veq.s32 v1, $0x80000000;
	v58 =	vand.u32 $0x3, v1  }
0xf: {  	v1 =	vsel vm1, $0xFFFFFFFF, v58;
	v59 =	vand.u32 $0x1F, v5;
	v60 =	vand.u32 $0x1FE00, v6  }
0x10: {  	v4 =	vsel vm1, $0xFFFFFFFF, v59;
	v5 =	vsel vm1, $0xFFFFFE00, v60;
	v61 =	vand.u32 $0xFFFFFE00, v1  }
0x11: {  	v1 =	vshll.u32 v1, $0x7;
	v5 =	vadd.s32 v61, v5;
	v62 =	vand.u32 $0xFFFFFE00, v4  }
0x12: {  	v2 =	vor.u32 v2, v3;
	v1 =	vand.u32 $0x180, v1;
	v63 =	vadd.s32 v62, v5  }
0x13: {  	v4 =	vand.u32 $0x7F, v4;
	v1 =	vor.u32 v1, v63  }
0x14: {  	v1 =	vor.u32 v4, v1  }
0x15: {  	[tilespmem:s16], [sflag:$0x1] =	stream.indirect_vreg.gather [hbm4b:s2+s10], $0x1, v0, vm0, $0x4038;
	[tilespmem:$0x640] =	vst v63  }
0x16: {  	(ifvalue) =	ssetifvalue $0x7FFFFFFF  }
0x17: {  	[tilespmem:s15], [sflag:$0x1] =	stream.indirect_vreg.gather [hbm4b:s2+s10], $0x1, v2, vm0, $0x4038;
	[tilespmem:$0x640] =	vst v63  }
0x18: {  	s29 =	sadd.s32 $0x10, s15;
	(ifvalue) =	ssetifvalue $0x7FFFFFFF  }
0x19: {  	[tilespmem:s29], [sflag:$0x1] =	stream.indirect_vreg.gather [hbm4b:s2+s10], $0x1, v1, vm0, $0x4038;
	[tilespmem:$0x640] =	vst v63  }
0x1a: {  	_ =	swait.ge [sflag:s4], $0x190  }
0x1b: {  	s30 =	sshrl.u32 s13, $0x3;
	[sflag:s4] =	ssyncset.done $0x0  }
0x1c: {  	s31 =	sand.u32 $0x7, s13;
	s15 =	sadd.s32 s8, s30;
	[sflag:s4] =	ssyncadd.s32 $0xFFFFFE70  }
0x1d: {  	[hbm4b:s15+s31] =	stream.linear.scatter [tilespmem:s14], [sflag:$0x3], $0x190, $0x38;
	[tilespmem:$0x640] =	vst v63  }
.LBB2_5:
0x1e: {  	s15 =	sadd.s32 $0x3200, s11  }
0x1f: {  	p1 =	sgt.s32 s15, $0x419F  }
0x20: {  	s15 =	smov.u32 @p1 s5;
	p1 =	sne.s32 s12, s9  }
.Ltmp1:
0x21: {  	p0 =	slt.u32 s12, $0x2;
	(pc) =	sbr.rel @!p1 .LBB2_6-.Ltmp1, $4  }
0x22: {  	s14 =	simm.s32 @!p0 $0x3  }
0x23: {  	_ =	swait.ge @!p0 [sflag:s14], $0x190  }
0x24: {  	s16 =	sadd.s32 $0x1, s12;
	s13 =	smov.u32 s11;
	[sflag:s14] =	ssyncset.done @!p0 $0x0  }
0x25: {  	s12 =	smov.u32 s16;
	s11 =	smov.u32 s15;
	[sflag:s14] =	ssyncadd.s32 @!p0 $0xFFFFFE70  }
.LBB2_1:
0x26: {  	p0 =	sge.u32 s12, s7  }
0x27: {  	s14 =	sxor.u32 @!p0 $0x1, s12  }
0x28: {  	s14 =	smul.u32 @!p0 $0x640, s14  }
0x29: {  	s31 =	sadd.s32 $0xFFFFFFFF, s12;
	s15 =	sshrl.u32 @!p0 s11, $0x3  }
0x2a: {  	s16 =	sand.u32 @!p0 $0x7, s11;
	s15 =	sadd.s32 @!p0 s3, s15;
	s14 =	sshra.s32 @!p0 s14, $0x2  }
0x2b: {  	[tilespmem:s14], [sflag:$0x2] =	stream.linear.gather @!p0 [hbm4b:s15+s16], $0x190, $0x38;
	[tilespmem:$0x640] =	vst v63  }
0x2c: {  	p0 =	sge.u32 s31, s7  }
.Ltmp2:
0x2d: {  	_ = 	snop;
	(pc) =	sbr.rel @p0 .LBB2_5-.Ltmp2, $1  }
0x2e: {  	_ =	sdelay $0x3  }
0x2f: {  	s14 =	sand.u32 $0x1, s12  }
0x30: {  	_ =	swait.ge [sflag:s6], $0x190;
	p0 =	seq.s32 s14, $0x1;
	s14 =	simm.s32 $0x190  }
0x31: {  	[sflag:s6] =	ssyncset.done $0x0;
	s14 =	simm.s32 @!p0 $0x0  }
0x32: {  	[sflag:s6] =	ssyncadd.s32 $0xFFFFFE70;
	(ifvalue) =	ssetifvalue $0x7FFFFFFF;
	v0 =	vld.msk [tilespmem:s14+$0x0 ss:$0x1], $0xffff;
	_ =	sdelay $0x3  }
0x33: {  	s15 =	sadd.s32 $0x10, s14  }
0x34: {  	v2 =	vld.msk [tilespmem:s15+$0x0 ss:$0x1], $0xffff;
	v1 =	vshrl.u32 v0, $0x2  }
0x35: {  	v3 =	vshll.u32 v0, $0x2;
	vm1 =	veq.s32 v0, $0x80000000;
	v0 =	vand.u32 $0x3, v0  }
0x36: {  	v0 =	vsel vm1, $0xFFFFFFFF, v0;
	v1 =	vand.u32 $0x1F, v1;
	v3 =	vand.u32 $0x1FE00, v3  }
0x37: {  	v1 =	vsel vm1, $0xFFFFFFFF, v1;
	v3 =	vsel vm1, $0xFFFFFE00, v3;
	v4 =	vand.u32 $0xFFFFFE00, v0  }
0x38: {  	v0 =	vshll.u32 v0, $0x7;
	v3 =	vadd.s32 v4, v3;
	v4 =	vand.u32 $0xFFFFFE00, v1  }
0x39: {  	v5 =	vshll.u32 v2, $0x2;
	v0 =	vand.u32 $0x180, v0;
	v3 =	vadd.s32 v4, v3  }
0x3a: {  	vm1 =	veq.s32 v2, $0x80000000;
	v1 =	vand.u32 $0x7F, v1;
	v0 =	vor.u32 v0, v3  }
0x3b: {  	v4 =	vshrl.u32 v2, $0x2;
	v2 =	vand.u32 $0x3, v2;
	v0 =	vor.u32 v1, v0  }
0x3c: {  	s15 =	sadd.s32 $0x10, s15;
	v2 =	vsel vm1, $0xFFFFFFFF, v2;
	v3 =	vand.u32 $0x1FE00, v5;
	v1 =	vand.u32 $0x1F, v4  }
0x3d: {  	s14 =	sadd.s32 $0x320, s14;
	v3 =	vsel vm1, $0xFFFFFE00, v3;
	v5 =	vand.u32 $0xFFFFFE00, v2;
	v4 =	vsel vm1, $0xFFFFFFFF, v1;
	v1 =	vld.msk [tilespmem:s15+$0x0 ss:$0x1], $0xffff  }
0x3e: {  	s17 =	simm.s32 $0x20;
	s16 =	smov.u32 s14;
	v6 =	vshll.u32 v2, $0x7;
	v3 =	vadd.s32 v5, v3;
	v5 =	vand.u32 $0xFFFFFE00, v4  }
0x3f: {  	s18 =	sadd.s32 $0x10, s15;
	(ifvalue) =	ssetifvalue $0x7FFFFFFF;
	s15 =	sadd.s32 $0x10, s14;
	v2 =	vand.u32 $0x7F, v4;
	v4 =	vand.u32 $0x180, v6;
	v3 =	vadd.s32 v5, v3  }
.LBB2_3:
0x40: {  	[tilespmem:s16], [sflag:$0x1] =	stream.indirect_vreg.gather [hbm4b:s2+s10], $0x1, v0, vm0, $0x4038;
	[tilespmem:$0x640] =	vst v63  }
0x41: {  	s17 =	sadd.s32 $0x10, s17  }
0x42: {  	v5 =	vshrl.u32 v1, $0x2;
	v6 =	vshll.u32 v1, $0x2;
	v3 =	vor.u32 v4, v3;
	v0 =	vmovc v1;
	v1 =	vld.msk [tilespmem:s18+$0x0 ss:$0x1], $0xffff;
	p0 =	slt.u32 s17, $0x180  }
.Ltmp3:
0x43: {  	s16 =	smov.u32 s15;
	vm1 =	veq.s32 v0, $0x80000000;
	v4 =	vand.u32 $0x3, v0;
	v0 =	vor.u32 v2, v3;
	(pc) =	sbr.rel @p0 .LBB2_3-.Ltmp3, $4  }
0x44: {  	v3 =	vand.u32 $0x1F, v5;
	v2 =	vsel vm1, $0xFFFFFFFF, v4;
	v4 =	vand.u32 $0x1FE00, v6  }
0x45: {  	v3 =	vsel vm1, $0xFFFFFFFF, v3;
	v4 =	vsel vm1, $0xFFFFFE00, v4;
	v5 =	vand.u32 $0xFFFFFE00, v2  }
0x46: {  	v6 =	vshll.u32 v2, $0x7;
	v4 =	vadd.s32 v5, v4;
	v5 =	vand.u32 $0xFFFFFE00, v3  }
0x47: {  	s18 =	sadd.s32 $0x10, s18;
	s15 =	sadd.s32 $0x10, s15;
	v2 =	vand.u32 $0x7F, v3;
	v3 =	vadd.s32 v5, v4;
	v4 =	vand.u32 $0x180, v6;
	(ifvalue) =	ssetifvalue $0x7FFFFFFF  }
.Ltmp4:
0x48: {  	_ = 	snop;
	(pc) =	sbr.rel .LBB2_4-.Ltmp4, $1  }
0x49: {  	_ =	sdelay $0x3  }
.LBB2_6:
0x4a: {  	_ =	sfence.sel $0x180000  }
0x4b: {  	s2 =	simm.s32 $0x2;
	[bflag:$0x0] =	sbarrier.arrive $0xFFFF  }
0x4c: {  	s30 =	simm.s32 $0x3;
	[sflag:s2] =	ssyncpa.u1 $0x1  }
0x4d: {  	s31 =	simm.s32 $0x1;
	[sflag:s30] =	ssyncpa.u1 $0x1  }
0x4e: {  	[sflag:s31] =	ssyncpa.u1 $0x1  }
0x4f: {  	p0 =	sne.s32 s1, $0x0;
	_ =	strace $0x9000004D  }
0x50: {  	s0 =	sadd.s32 @!p0 $0x100000, s0;
	[bflag:$0x2] =	sbarrier.arrive $0xFFFF  }
0x51: {  	[sflag:s0] =	ssyncadd.tile.s32 @!p0 $0x1;
	_ =	shalt  }
.Lfunc_end2:
_tile_overlayer_lowered:
.L_overlay_start_2:
0x52: {  	(tag) =	ssettag $0x2  }
0x53: {  	s0 =	rddreg [dreg:$0x0];
	s2 =	stileid.u32  }
0x54: {  	s1 =	rddreg [dreg:$0x1];
	p0 =	sne.s32 s2, $0x0  }
0x55: {  	s3 =	rddreg [dreg:$0x2];
	[bflag:$0x3] =	sbarrier.arrive $0xFFFF;
	s2 =	simm.s32 @!p0 $0x1C01  }
0x56: {  	[timem:s3], [sflag:s2] =	dma.local @!p0 [hbm:s0], s1  }
0x57: {  	s0 =	simm.s32 @!p0 $0x1  }
0x58: {  	_ =	swait.ge @!p0 [sflag:s0], s1  }
0x59: {  	s1 =	ssub.s32 @!p0 $0x0, s1;
	[sflag:s0] =	ssyncset.done @!p0 $0x0  }
0x5a: {  	[sflag:s0] =	ssyncadd.s32 @!p0 s1  }
0x5b: {  	[bflag:$0x3] =	sbarrier.arrive $0xFFFF  }
0x5c: {  	_ =	shalt  }

// kernel: gather_offload_async_start.3
scs
__scs_entry_jumppad:
0x0: {  	(pc) =	sbr.rel $0x88, $3  }
0x1: {  	(tag) =	ssettag $0x0;
	lr =	simm.s32 $0x1  }
0x2: {  	[smem:$0x3F9E] =	sst lr;
	_ =	strace $0xD0000000  }
0x3: {  	_ = 	snop  }
0x4: {  	_ = 	snop  }
0x5: {  	_ = 	snop  }
0x6: {  	_ = 	snop  }
0x7: {  	_ = 	snop  }
__scs_overlays_trampoline_lowered:
0x8: {  	[smem:$0x3FAD] =	sst s0  }
0x9: {  	[smem:$0x3FAE] =	sst s1  }
0xa: {  	[smem:$0x3FAF] =	sst s2  }
0xb: {  	[smem:$0x3FB0] =	sst s3  }
0xc: {  	[smem:$0x3FB1] =	sst s4  }
0xd: {  	[smem:$0x3FB2] =	sst s5  }
0xe: {  	[smem:$0x3FB3] =	sst s6  }
0xf: {  	[smem:$0x3FB4] =	sst s7  }
0x10: {  	[smem:$0x3FB5] =	sst s8  }
0x11: {  	[smem:$0x3FB6] =	sst s9;
	s0 =	simm.s32 @!p0 $0x0  }
0x12: {  	s1 =	sld [smem:$0x3F9C];
	s0 =	simm.s32 @p0 $0x1  }
0x13: {  	[smem:$0x3FB7] =	sst s0;
	s0 =	simm.s32 @!p1 $0x0  }
0x14: {  	s2 =	sld [smem:$0x3F9B];
	s0 =	simm.s32 @p1 $0x1  }
0x15: {  	[smem:$0x3FB8] =	sst s0;
	s0 =	simm.s32 @!p2 $0x0  }
0x16: {  	s3 =	sld [smem:$0x3FDB];
	s0 =	simm.s32 @p2 $0x1  }
0x17: {  	s4 =	simm.s32 $0x1BF5;
	[smem:$0x3FBA] =	sst s0  }
0x18: {  	s0 =	sld [smem:$0x3F9D];
	_ =	swait.ge [sflag:s4], $0x0  }
0x19: {  	s7 =	sld [smem:$0x3F9E]  }
0x1a: {  	s8 =	sadd.s32 $0xFFFFE003, lr  }
0x1b: {  	s9 =	sadd.s32 $0xFFFFFEF7, lr;
	s5 =	simm.s32 $0xFFFFFFFF;
	p2 =	slt.u32 s8, $0xFFFFF086  }
0x1c: {  	p1 =	slt.u32 s9, $0xF7A;
	s5 =	simm.s32 @!p2 $0x0  }
0x1d: {  	s5 =	simm.s32 @p1 $0x1;
	p0 =	seq.s32 s7, s2  }
0x1e: {  	s7 =	smul.u32 @!p0 $0xF7A, s2;
	p2 =	seq.s32 @!p0 s5, $0x0  }
0x1f: {  	s9 =	smul.u32 $0xF7A, s1;
	s8 =	simm.s32 @!p0 $0x1BF5;
	p2 =	por !p2, p0  }
0x20: {  	[sflag:s8] =	ssyncset.s32 @!p0 $0xFFFFF086;
	s6 =	sadd.s32 @!p0 s3, s7;
	s7 =	simm.s32 @!p0 $0x108  }
0x21: {  	s3 =	sadd.s32 s3, s9;
	s6 =	sadd.s32 @!p0 $0x88, s6;
	s7 =	simm.s32 @p2 $0x1082  }
0x22: {  	[simem:s7], [sflag:s8] =	dma.local @!p0 [hbm:s6], $0xF7A  }
0x23: {  	s9 =	sor.u32 $0xD0000000, s2;
	s6 =	simm.s32 $0x108;
	_ =	swait.ge @!p0 [sflag:s8], $0x0  }
0x24: {  	s3 =	sadd.s32 $0x88, s3;
	s6 =	simm.s32 @!p1 $0x1082;
	[sflag:s4] =	ssyncset.s32 $0xFFFFF086  }
0x25: {  	[simem:s6], [sflag:s4] =	dma.local [hbm:s3], $0xF7A  }
0x26: {  	[smem:$0x3F9E] =	sst s1;
	(tag) =	ssettag s2;
	_ =	strace s9  }
0x27: {  	s1 =	sld [smem:$0x3FAE]  }
0x28: {  	s2 =	sld [smem:$0x3FAF]  }
0x29: {  	s4 =	sld [smem:$0x3FB1]  }
0x2a: {  	p0 =	seq.s32 s5, $0x0;
	s5 =	sld [smem:$0x3FB2]  }
0x2b: {  	s6 =	sld [smem:$0x3FB3]  }
0x2c: {  	s7 =	sld [smem:$0x3FB4]  }
0x2d: {  	s3 =	simm.s32 $0x108;
	s8 =	sld [smem:$0x3FB5]  }
0x2e: {  	s3 =	simm.s32 @!p0 $0x1082;
	s9 =	sld [smem:$0x3FB6]  }
0x2f: {  	lr =	sadd.s32 s0, s3;
	s0 =	sld [smem:$0x3FAD]  }
0x30: {  	s3 =	sld [smem:$0x3FB0]  }
0x31: {  	[smem:$0x3FB9] =	sst s10  }
0x32: {  	s10 =	sld [smem:$0x3FB7];
	_ =	sdelay $0x3  }
0x33: {  	p0 =	seq.s32 s10, $0x1;
	s10 =	sld [smem:$0x3FB9];
	_ =	sdelay $0x3  }
0x34: {  	[smem:$0x3FB9] =	sst s10  }
0x35: {  	s10 =	sld [smem:$0x3FB8];
	_ =	sdelay $0x3  }
0x36: {  	p1 =	seq.s32 s10, $0x1;
	s10 =	sld [smem:$0x3FB9];
	_ =	sdelay $0x3  }
0x37: {  	[smem:$0x3FB9] =	sst s10  }
0x38: {  	s10 =	sld [smem:$0x3FBA]  }
0x39: {  	_ = 	snop;
	(pc) =	sbr.ind lr, $3  }
0x3a: {  	_ = 	snop  }
0x3b: {  	_ = 	snop  }
0x3c: {  	p2 =	seq.s32 s10, $0x1;
	s10 =	sld [smem:$0x3FB9]  }
0x3d: {  	_ =	shalt  }
0x3e: {  	_ =	shalt  }
0x3f: {  	_ =	shalt  }
0x40: {  	_ =	shalt  }
0x41: {  	_ =	shalt  }
0x42: {  	_ =	shalt  }
0x43: {  	_ =	shalt  }
0x44: {  	_ =	shalt  }
0x45: {  	_ =	shalt  }
0x46: {  	_ =	shalt  }
0x47: {  	_ =	shalt  }
0x48: {  	_ =	shalt  }
0x49: {  	_ =	shalt  }
0x4a: {  	_ =	shalt  }
0x4b: {  	_ =	shalt  }
0x4c: {  	_ =	shalt  }
0x4d: {  	_ =	shalt  }
0x4e: {  	_ =	shalt  }
0x4f: {  	_ =	shalt  }
0x50: {  	_ =	shalt  }
0x51: {  	_ =	shalt  }
0x52: {  	_ =	shalt  }
0x53: {  	_ =	shalt  }
0x54: {  	_ =	shalt  }
0x55: {  	_ =	shalt  }
0x56: {  	_ =	shalt  }
0x57: {  	_ =	shalt  }
0x58: {  	_ =	shalt  }
0x59: {  	_ =	shalt  }
0x5a: {  	_ =	shalt  }
0x5b: {  	_ =	shalt  }
0x5c: {  	_ =	shalt  }
0x5d: {  	_ =	shalt  }
0x5e: {  	_ =	shalt  }
0x5f: {  	_ =	shalt  }
0x60: {  	_ =	shalt  }
0x61: {  	_ =	shalt  }
0x62: {  	_ =	shalt  }
0x63: {  	_ =	shalt  }
0x64: {  	_ =	shalt  }
0x65: {  	_ =	shalt  }
0x66: {  	_ =	shalt  }
0x67: {  	_ =	shalt  }
0x68: {  	_ =	shalt  }
0x69: {  	_ =	shalt  }
0x6a: {  	_ =	shalt  }
0x6b: {  	_ =	shalt  }
0x6c: {  	_ =	shalt  }
0x6d: {  	_ =	shalt  }
0x6e: {  	_ =	shalt  }
0x6f: {  	_ =	shalt  }
0x70: {  	_ =	shalt  }
0x71: {  	_ =	shalt  }
0x72: {  	_ =	shalt  }
0x73: {  	_ =	shalt  }
0x74: {  	_ =	shalt  }
0x75: {  	_ =	shalt  }
0x76: {  	_ =	shalt  }
0x77: {  	_ =	shalt  }
0x78: {  	_ =	shalt  }
0x79: {  	_ =	shalt  }
0x7a: {  	_ =	shalt  }
0x7b: {  	_ =	shalt  }
0x7c: {  	_ =	shalt  }
0x7d: {  	_ =	shalt  }
0x7e: {  	_ =	shalt  }
0x7f: {  	_ =	shalt  }
0x80: {  	_ =	shalt  }
0x81: {  	_ =	shalt  }
0x82: {  	_ =	shalt  }
0x83: {  	_ =	shalt  }
0x84: {  	_ =	shalt  }
0x85: {  	_ =	shalt  }
0x86: {  	_ =	shalt  }
0x87: {  	_ =	shalt  }
.Lfunc_end0:
.L_simem_size_0:
called_computation.3_lowered:
.L_overlay_start_0:
0x88: {  	s2 =	sld [smem:$0x3FD9]  }
0x89: {  	s3 =	sld [smem:$0x3FFE];
	_ =	sdelay $0x1  }
0x8a: {  	s1 =	srdreg.scid  }
0x8b: {  	s0 =	sand.u32 $0x1, s1  }
0x8c: {  	s16 =	sshll.u32 s0, $0xA;
	s2 =	sadd.s32 s3, s2  }
0x8d: {  	s2 =	sadd.s32 s2, s16  }
0x8e: {  	[smem:$0x3FC5] =	sst s2  }
0x8f: {  	_ = 	snop  }
0x90: {  	(tm) =	ssettm $0x1  }
0x91: {  	s17 =	sld [smem:$0x3FFB];
	_ =	sdelay $0x3  }
0x92: {  	_ =	strace s17  }
0x93: {  	s2 =	sld [smem:$0x3FFC];
	_ =	sdelay $0x3  }
0x94: {  	_ =	strace s2  }
0x95: {  	s2 =	sld [smem:$0x3FFD];
	_ =	sdelay $0x3  }
0x96: {  	_ =	strace s2  }
0x97: {  	_ =	strace $0x8FFFFFFF  }
0x98: {  	s18 =	sld [smem:$0x3FDB];
	_ =	sdelay $0x1  }
0x99: {  	s19 =	simm.s32 $_scs_section_size  }
0x9a: {  	s4 =	simm.s32 $_size__tile_overlayer_lowered;
	s5 =	simm.s32 $_tile_overlayer_lowered  }
0x9b: {  	s22 =	simm.s32 $0x1BFF;
	s21 =	sshll.u32 s5, $0x1;
	s2 =	sadd.s32 s19, s18  }
0x9c: {  	s6 =	simm.s32 $0x0;
	s20 =	sshll.u32 s4, $0x1;
	s4 =	sadd.s32 s21, s2  }
0x9d: {  	[timem:s6], [sflag:s22] =	dma.local [hbm:s4], s20  }
0x9e: {  	_ =	swait.ge [sflag:s22], s20  }
0x9f: {  	s3 =	ssub.s32 $0x0, s20;
	[sflag:s22] =	ssyncset.done $0x0  }
0xa0: {  	[sflag:s22] =	ssyncadd.s32 s3;
	_ =	sdelay $0x1  }
0xa1: {  	s23 =	simm.s32 $0x1B8B  }
0xa2: {  	_ =	swait.ge [sflag:s23], $0x1  }
0xa3: {  	[sflag:s23] =	ssyncset.done $0x0  }
0xa4: {  	s25 =	simm.s32 $0x1B8E;
	s24 =	sld [smem:$0x3FFE];
	[sflag:s23] =	ssyncadd.s32 $0xFFFFFFFF  }
0xa5: {  	s26 =	simm.s32 $execute0_lowered;
	[smem:$0x3FD2] =	sst s25  }
0xa6: {  	s4 =	sshll.u32 s26, $0x1;
	_ =	strace $0x8000004F;
	[dreg:$0x1] =	wrdreg $0xFFFFFFFF  }
0xa7: {  	s28 =	simm.s32 $_size_execute0_lowered;
	s2 =	sadd.s32 s2, s4;
	[dreg:$0x0] =	wrdreg $0x0  }
0xa8: {  	s4 =	sshll.u32 s28, $0x1;
	[dreg:$0x2] =	wrdreg s2  }
0xa9: {  	[dreg:$0x3] =	wrdreg s4  }
0xaa: {  	[dreg:$0x4] =	wrdreg $0xC0  }
0xab: {  	_ =	task [dreg:s6], $0x5FFFF  }
0xac: {  	[dreg:$0x1] =	wrdreg $0xFFFFFFFF  }
0xad: {  	[dreg:$0x0] =	wrdreg $0x60  }
0xae: {  	[dreg:$0x2] =	wrdreg s24  }
0xaf: {  	[dreg:$0x3] =	wrdreg $0x9  }
0xb0: {  	_ =	task.clear_ibuf [dreg:s6], $0x4FFFF;
	_ =	strace $0x9000004F  }
0xb1: {  	s29 =	simm.s32 $0x9;
	_ =	strace $0x80000051  }
0xb2: {  	_ =	swait.ge [sflag:s29], $0x1  }
0xb3: {  	[sflag:s29] =	ssyncadd.s32 $0xFFFFFFFF  }
0xb4: {  	_ =	strace $0x90000051  }
0xb5: {  	_ =	sfence  }
0xb6: {  	s30 =	sld [smem:$0x0];
	_ =	sdelay $0x2  }
0xb7: {  	s31 =	sshll.u32 s1, $0xD;
	s1 =	sshrl.u32 s1, $0x2  }
0xb8: {  	s3 =	sand.u32 $0x4000, s31;
	s1 =	sadd.s32 s1, s30  }
0xb9: {  	s0 =	sor.u32 s3, s0;
	s1 =	sshll.u32 s1, $0x11  }
0xba: {  	s0 =	sor.u32 s1, s0  }
0xbb: {  	s0 =	sadd.s32 $0x8F2B, s0  }
0xbc: {  	[sflag:s0] =	ssyncadd.remote.s32 $0x1  }
0xbd: {  	_ =	sfence.sel $0xFFFF  }
0xbe: {  	[dreg:$0x0] =	wrdreg $0xFFFFFFFF;
	(pc) =	sbr.abs _section_cstart, $3  }
0xbf: {  	[dreg:$0x1] =	wrdreg $0xFFFFFFFF  }
0xc0: {  	_ =	task.clear_ibuf [dreg:s6], $0x2FFFF;
	_ =	strace $0x9FFFFFFF  }
0xc1: {  	(tm) =	ssettm $0x7FFFFFFF  }
tec
execute0_lowered:
.L_overlay_start_1:
0x0: {  	(tag) =	ssettag $0x1  }
0x1: {  	s0 =	srdreg.scid  }
0x2: {  	s1 =	sshll.u32 s0, $0x4  }
0x3: {  	s0 =	stileid.u32;
	s1 =	sand.u32 $0x10, s1  }
0x4: {  	s2 =	sor.u32 s0, s1  }
0x5: {  	s1 =	smin.u32 s2, $0x12  }
0x6: {  	s1 =	sadd.s32 s2, s1  }
0x7: {  	p0 =	slt.u32 s2, $0x12;
	s2 =	simm.s32 $0x2A0;
	s1 =	smul.u32 $0x150, s1  }
0x8: {  	s2 =	simm.s32 @!p0 $0x150  }
0x9: {  	s2 =	sadd.s32 s2, s1  }
0xa: {  	s3 =	smin.u32 s2, $0x41A0  }
0xb: {  	s7 =	ssub.s32 s3, s1  }
0xc: {  	p0 =	sgt.s32 s7, $0x0  }
0xd: {  	s7 =	simm.s32 @!p0 $0x0  }
0xe: {  	s31 =	sand.u32 $0xFFF0, s7  }
0xf: {  	s2 =	sshrl.u32 s31, $0x4  }
0x10: {  	s4 =	smul.u32 $0xC31, s2  }
0x11: {  	s9 =	rddreg [dreg:$0x0];
	s6 =	simm.s32 $0x1;
	s11 =	simm.s32 $0x3  }
0x12: {  	s13 =	simm.s32 $0x0;
	s12 =	simm.s32 $0x0;
	s8 =	sshrl.u32 s4, $0x10  }
0x13: {  	s2 =	rddreg [dreg:$0x1];
	_ =	strace $0x80000050;
	s10 =	smul.u32 $0x150, s8  }
.Ltmp0:
0x14: {  	s5 =	sadd.s32 $0xE00, s9;
	[sflag:s6] =	ssyncpa.u1 $0x0;
	(pc) =	sbr.rel .LBB2_1-.Ltmp0, $4  }
0x15: {  	s4 =	sadd.s32 $0x271A00, s9;
	p0 =	sne.s32 s7, s10;
	s10 =	simm.s32 $0x1  }
0x16: {  	s9 =	sadd.s32 $0x1800, s9;
	s7 =	simm.s32 $0x2;
	s10 =	simm.s32 @!p0 $0x0  }
0x17: {  	[sflag:s7] =	ssyncpa.u1 $0x0;
	p0 =	por $0x0, $0x0;
	s8 =	sadd.s32 s8, s10  }
0x18: {  	vm0 =	vmmov $0xff;
	vm1 =	vcmask $0x3F20;
	[sflag:s11] =	ssyncpa.u1 $0x0;
	s11 =	smov.u32 s1;
	s10 =	sadd.s32 $0x1, s8  }
.LBB2_6:
0x19: {  	[hbm:s17] =	stream.linear.scatter [tilespmem:s14], [sflag:$0x3], $0x400, $0x38;
	[tilespmem:$0x152A0] =	vst v63  }
.LBB2_7:
0x1a: {  	s13 =	sadd.s32 $0x150, s11  }
0x1b: {  	s15 =	smov.u32 s1;
	p2 =	slt.s32 s13, s3  }
0x1c: {  	s15 =	smov.u32 @p2 s13;
	p2 =	sne.s32 s12, s10  }
.Ltmp1:
0x1d: {  	p1 =	slt.u32 s12, $0x2;
	(pc) =	sbr.rel @!p2 .LBB2_8-.Ltmp1, $4  }
0x1e: {  	s14 =	simm.s32 @!p1 $0x3  }
0x1f: {  	s16 =	sadd.s32 $0x1, s12;
	_ =	swait.ge @!p1 [sflag:s14], $0xA800  }
0x20: {  	p0 =	por !p0, !p0;
	s13 =	smov.u32 s11;
	[sflag:s14] =	ssyncset.done @!p1 $0x0  }
0x21: {  	s12 =	smov.u32 s16;
	s11 =	smov.u32 s15;
	[sflag:s14] =	ssyncadd.s32 @!p1 $0xFFFF5800  }
.LBB2_1:
0x22: {  	p1 =	sge.u32 s12, s8  }
0x23: {  	s14 =	sxor.u32 @!p1 $0xFFFFFFFF, s12  }
0x24: {  	s14 =	sand.u32 @!p1 $0x1, s14  }
0x25: {  	s14 =	smul.u32 @!p1 $0x540, s14  }
0x26: {  	s31 =	sadd.s32 $0xFFFFFFFF, s12;
	s15 =	sshrl.u32 @!p1 s11, $0x3  }
0x27: {  	s16 =	sand.u32 @!p1 $0x7, s11;
	s15 =	sadd.s32 @!p1 s5, s15;
	s14 =	sshrl.u32 @!p1 s14, $0x2  }
0x28: {  	[tilespmem:s14], [sflag:$0x2] =	stream.linear.gather @!p1 [hbm4b:s15+s16], $0x150, $0x38;
	[tilespmem:$0x152A0] =	vst v63  }
0x29: {  	p1 =	sge.u32 s31, s8  }
.Ltmp2:
0x2a: {  	_ = 	snop;
	(pc) =	sbr.rel @p1 .LBB2_7-.Ltmp2, $1  }
0x2b: {  	_ =	sdelay $0x3  }
0x2c: {  	s14 =	simm.s32 $0x1  }
0x2d: {  	s14 =	simm.s32 @!p0 $0x0  }
0x2e: {  	s15 =	smul.u32 $0x540, s14  }
0x2f: {  	_ =	swait.ge [sflag:s7], $0x150  }
0x30: {  	[sflag:s7] =	ssyncset.done $0x0;
	s16 =	sshrl.u32 s15, $0x2  }
0x31: {  	[sflag:s7] =	ssyncadd.s32 $0xFFFFFEB0;
	s15 =	sadd.s32 $0x0, s16  }
0x32: {  	v0 =	vld.msk [tilespmem:s15+$0x0 ss:$0x1], $0xffff;
	_ =	sdelay $0x4  }
0x33: {  	v1 =	vshrl.u32 v0, $0x2  }
0x34: {  	v2 =	vand.u32 $0x3, v0;
	v1 =	vand.u32 $0x1F, v1  }
0x35: {  	v2 =	vmul.u32 $0x83400, v2;
	v1 =	vmul.u32 $0x6400, v1  }
0x36: {  	vm2 =	veq.s32 v0, $0x80000000;
	v0 =	vand.u32 $0x7F80, v0  }
0x37: {  	v0 =	vsel vm2, $0xFFFFFF80, v0;
	v1 =	vadd.s32 v2, v1  }
0x38: {  	v2 =	vand.u32 $0xFFFFFC00, v0;
	v1 =	vsel vm2, $0xFFF76800, v1  }
0x39: {  	v0 =	vand.u32 $0x380, v0;
	v1 =	vadd.s32 v2, v1  }
0x3a: {  	v0 =	vor.u32 v0, v1  }
0x3b: {  	v0 =	vshrl.u32 v0, $0x3  }
0x3c: {  	s14 =	smul.u32 $0x2A000, s14;
	_ =	sdelay $0x1  }
0x3d: {  	s14 =	sshrl.u32 s14, $0x2  }
0x3e: {  	s14 =	sor.u32 $0x2A0, s14  }
0x3f: {  	[tilespmem:s14], [sflag:$0x1] =	stream.indirect_vreg.gather [hbm:s4], $0x80, v0, vm0, $0x38;
	[tilespmem:$0x152A0] =	vst v63  }
0x40: {  	s17 =	sadd.s32 $0x10, s16;
	s15 =	sadd.s32 $0x400, s14  }
0x41: {  	[tilespmem:s15], [sflag:$0x1] =	stream.indirect_vreg.gather [hbm:s4], $0x80, v0, vm1, $0x38;
	[tilespmem:$0x152A0] =	vst v63  }
0x42: {  	s18 =	simm.s32 $0x80;
	v0 =	vld.msk [tilespmem:s17+$0x0 ss:$0x1], $0xffff;
	s17 =	smov.u32 s14  }
.LBB2_3:
0x43: {  	p1 =	sne.s32 s18, $0x500;
	_ =	sdelay $0x4  }
0x44: {  	v1 =	vshrl.u32 v0, $0x2  }
0x45: {  	v2 =	vand.u32 $0x3, v0;
	v1 =	vand.u32 $0x1F, v1  }
0x46: {  	v2 =	vmul.u32 $0x83400, v2;
	v1 =	vmul.u32 $0x6400, v1  }
0x47: {  	vm2 =	veq.s32 v0, $0x80000000;
	v0 =	vand.u32 $0x7F80, v0  }
0x48: {  	v0 =	vsel vm2, $0xFFFFFF80, v0;
	v1 =	vadd.s32 v2, v1  }
0x49: {  	v2 =	vand.u32 $0xFFFFFC00, v0;
	v1 =	vsel vm2, $0xFFF76800, v1  }
0x4a: {  	v0 =	vand.u32 $0x380, v0;
	v1 =	vadd.s32 v2, v1  }
0x4b: {  	v0 =	vor.u32 v0, v1  }
0x4c: {  	v0 =	vshrl.u32 v0, $0x3;
	_ =	sdelay $0x3  }
.Ltmp3:
0x4d: {  	s19 =	sshra.s32 s18, $0x2;
	s17 =	sadd.s32 $0x800, s17;
	(pc) =	sbr.rel @p1 .LBB2_3-.Ltmp3, $4  }
0x4e: {  	[tilespmem:s17], [sflag:$0x1] =	stream.indirect_vreg.gather [hbm:s4], $0x80, v0, vm0, $0x38;
	[tilespmem:$0x152A0] =	vst v63  }
0x4f: {  	s19 =	sadd.s32 s19, s16;
	s20 =	sadd.s32 $0x400, s17  }
0x50: {  	[tilespmem:s20], [sflag:$0x1] =	stream.indirect_vreg.gather [hbm:s4], $0x80, v0, vm1, $0x38;
	[tilespmem:$0x152A0] =	vst v63  }
0x51: {  	s18 =	sadd.s32 $0x40, s18;
	v0 =	vld.msk [tilespmem:s19+$0x0 ss:$0x1], $0xffff  }
0x52: {  	_ =	sdelay $0x3  }
0x53: {  	v1 =	vshrl.u32 v0, $0x2  }
0x54: {  	v2 =	vand.u32 $0x3, v0;
	v1 =	vand.u32 $0x1F, v1  }
0x55: {  	v2 =	vmul.u32 $0x83400, v2;
	v1 =	vmul.u32 $0x6400, v1  }
0x56: {  	vm2 =	veq.s32 v0, $0x80000000;
	v62 =	vand.u32 $0x7F80, v0  }
0x57: {  	v0 =	vsel vm2, $0xFFFFFF80, v62;
	v1 =	vadd.s32 v2, v1  }
0x58: {  	v63 =	vand.u32 $0xFFFFFC00, v0;
	v1 =	vsel vm2, $0xFFF76800, v1  }
0x59: {  	v0 =	vand.u32 $0x380, v0;
	v1 =	vadd.s32 v63, v1  }
0x5a: {  	v0 =	vor.u32 v0, v1  }
0x5b: {  	v0 =	vshrl.u32 v0, $0x3;
	_ =	sdelay $0x3  }
0x5c: {  	s16 =	sadd.s32 $0x800, s17  }
0x5d: {  	[tilespmem:s16], [sflag:$0x1] =	stream.indirect_vreg.gather [hbm:s4], $0x80, v0, vm0, $0x38;
	[tilespmem:$0x152A0] =	vst v63  }
0x5e: {  	s16 =	sadd.s32 $0x400, s16  }
0x5f: {  	[tilespmem:s16], [sflag:$0x1] =	stream.indirect_vreg.gather [hbm:s4], $0x80, v0, vm1, $0x38;
	[tilespmem:$0x152A0] =	vst v63  }
0x60: {  	s13 =	sshll.u32 s13, $0x4;
	_ =	swait.ge [sflag:s6], $0xA800  }
0x61: {  	s13 =	sadd.s32 s13, s9;
	[sflag:s6] =	ssyncset.done $0x0  }
0x62: {  	s17 =	sadd.s32 $0x0, s13;
	s16 =	simm.s32 $0x80;
	[sflag:s6] =	ssyncadd.s32 $0xFFFF5800  }
.LBB2_5:
0x63: {  	[hbm:s17] =	stream.linear.scatter [tilespmem:s14], [sflag:$0x3], $0x400, $0x38;
	[tilespmem:$0x152A0] =	vst v63  }
0x64: {  	s17 =	smov.u32 s16;
	s14 =	smov.u32 s15;
	p1 =	sne.s32 s16, $0x1480  }
.Ltmp4:
0x65: {  	s16 =	sadd.s32 $0x80, s16;
	(pc) =	sbr.rel @p1 .LBB2_5-.Ltmp4, $2  }
0x66: {  	_ =	sdelay $0x2  }
0x67: {  	s15 =	sadd.s32 $0x400, s15;
	s17 =	sadd.s32 s17, s13  }
.Ltmp5:
0x68: {  	_ = 	snop;
	(pc) =	sbr.rel .LBB2_6-.Ltmp5, $1  }
0x69: {  	_ =	sdelay $0x3  }
.LBB2_8:
0x6a: {  	_ =	sfence.sel $0x180000  }
0x6b: {  	s1 =	simm.s32 $0x2;
	[bflag:$0x0] =	sbarrier.arrive $0xFFFF  }
0x6c: {  	s30 =	simm.s32 $0x3;
	[sflag:s1] =	ssyncpa.u1 $0x1  }
0x6d: {  	s31 =	simm.s32 $0x1;
	[sflag:s30] =	ssyncpa.u1 $0x1  }
0x6e: {  	[sflag:s31] =	ssyncpa.u1 $0x1  }
0x6f: {  	p0 =	sne.s32 s0, $0x0;
	_ =	strace $0x90000050  }
0x70: {  	s0 =	sadd.s32 @!p0 $0x100000, s2;
	[bflag:$0x2] =	sbarrier.arrive $0xFFFF  }
0x71: {  	[sflag:s0] =	ssyncadd.tile.s32 @!p0 $0x1;
	_ =	shalt  }
.Lfunc_end2:
_tile_overlayer_lowered:
.L_overlay_start_2:
0x72: {  	(tag) =	ssettag $0x2  }
0x73: {  	s0 =	rddreg [dreg:$0x0];
	s2 =	stileid.u32  }
0x74: {  	s1 =	rddreg [dreg:$0x1];
	p0 =	sne.s32 s2, $0x0  }
0x75: {  	s3 =	rddreg [dreg:$0x2];
	[bflag:$0x3] =	sbarrier.arrive $0xFFFF;
	s2 =	simm.s32 @!p0 $0x1C01  }
0x76: {  	[timem:s3], [sflag:s2] =	dma.local @!p0 [hbm:s0], s1  }
0x77: {  	s0 =	simm.s32 @!p0 $0x1  }
0x78: {  	_ =	swait.ge @!p0 [sflag:s0], s1  }
0x79: {  	s1 =	ssub.s32 @!p0 $0x0, s1;
	[sflag:s0] =	ssyncset.done @!p0 $0x0  }
0x7a: {  	[sflag:s0] =	ssyncadd.s32 @!p0 s1  }
0x7b: {  	[bflag:$0x3] =	sbarrier.arrive $0xFFFF  }
0x7c: {  	_ =	shalt  }

// kernel: gather_offload_async_start
scs
__scs_entry_jumppad:
0x0: {  	(pc) =	sbr.rel $0x88, $3  }
0x1: {  	(tag) =	ssettag $0x0;
	lr =	simm.s32 $0x1  }
0x2: {  	[smem:$0x3F9E] =	sst lr;
	_ =	strace $0xD0000000  }
0x3: {  	_ = 	snop  }
0x4: {  	_ = 	snop  }
0x5: {  	_ = 	snop  }
0x6: {  	_ = 	snop  }
0x7: {  	_ = 	snop  }
__scs_overlays_trampoline_lowered:
0x8: {  	[smem:$0x3FAD] =	sst s0  }
0x9: {  	[smem:$0x3FAE] =	sst s1  }
0xa: {  	[smem:$0x3FAF] =	sst s2  }
0xb: {  	[smem:$0x3FB0] =	sst s3  }
0xc: {  	[smem:$0x3FB1] =	sst s4  }
0xd: {  	[smem:$0x3FB2] =	sst s5  }
0xe: {  	[smem:$0x3FB3] =	sst s6  }
0xf: {  	[smem:$0x3FB4] =	sst s7  }
0x10: {  	[smem:$0x3FB5] =	sst s8  }
0x11: {  	[smem:$0x3FB6] =	sst s9;
	s0 =	simm.s32 @!p0 $0x0  }
0x12: {  	s1 =	sld [smem:$0x3F9C];
	s0 =	simm.s32 @p0 $0x1  }
0x13: {  	[smem:$0x3FB7] =	sst s0;
	s0 =	simm.s32 @!p1 $0x0  }
0x14: {  	s2 =	sld [smem:$0x3F9B];
	s0 =	simm.s32 @p1 $0x1  }
0x15: {  	[smem:$0x3FB8] =	sst s0;
	s0 =	simm.s32 @!p2 $0x0  }
0x16: {  	s3 =	sld [smem:$0x3FDB];
	s0 =	simm.s32 @p2 $0x1  }
0x17: {  	s4 =	simm.s32 $0x1BF5;
	[smem:$0x3FBA] =	sst s0  }
0x18: {  	s0 =	sld [smem:$0x3F9D];
	_ =	swait.ge [sflag:s4], $0x0  }
0x19: {  	s7 =	sld [smem:$0x3F9E]  }
0x1a: {  	s8 =	sadd.s32 $0xFFFFE003, lr  }
0x1b: {  	s9 =	sadd.s32 $0xFFFFFEF7, lr;
	s5 =	simm.s32 $0xFFFFFFFF;
	p2 =	slt.u32 s8, $0xFFFFF086  }
0x1c: {  	p1 =	slt.u32 s9, $0xF7A;
	s5 =	simm.s32 @!p2 $0x0  }
0x1d: {  	s5 =	simm.s32 @p1 $0x1;
	p0 =	seq.s32 s7, s2  }
0x1e: {  	s7 =	smul.u32 @!p0 $0xF7A, s2;
	p2 =	seq.s32 @!p0 s5, $0x0  }
0x1f: {  	s9 =	smul.u32 $0xF7A, s1;
	s8 =	simm.s32 @!p0 $0x1BF5;
	p2 =	por !p2, p0  }
0x20: {  	[sflag:s8] =	ssyncset.s32 @!p0 $0xFFFFF086;
	s6 =	sadd.s32 @!p0 s3, s7;
	s7 =	simm.s32 @!p0 $0x108  }
0x21: {  	s3 =	sadd.s32 s3, s9;
	s6 =	sadd.s32 @!p0 $0x88, s6;
	s7 =	simm.s32 @p2 $0x1082  }
0x22: {  	[simem:s7], [sflag:s8] =	dma.local @!p0 [hbm:s6], $0xF7A  }
0x23: {  	s9 =	sor.u32 $0xD0000000, s2;
	s6 =	simm.s32 $0x108;
	_ =	swait.ge @!p0 [sflag:s8], $0x0  }
0x24: {  	s3 =	sadd.s32 $0x88, s3;
	s6 =	simm.s32 @!p1 $0x1082;
	[sflag:s4] =	ssyncset.s32 $0xFFFFF086  }
0x25: {  	[simem:s6], [sflag:s4] =	dma.local [hbm:s3], $0xF7A  }
0x26: {  	[smem:$0x3F9E] =	sst s1;
	(tag) =	ssettag s2;
	_ =	strace s9  }
0x27: {  	s1 =	sld [smem:$0x3FAE]  }
0x28: {  	s2 =	sld [smem:$0x3FAF]  }
0x29: {  	s4 =	sld [smem:$0x3FB1]  }
0x2a: {  	p0 =	seq.s32 s5, $0x0;
	s5 =	sld [smem:$0x3FB2]  }
0x2b: {  	s6 =	sld [smem:$0x3FB3]  }
0x2c: {  	s7 =	sld [smem:$0x3FB4]  }
0x2d: {  	s3 =	simm.s32 $0x108;
	s8 =	sld [smem:$0x3FB5]  }
0x2e: {  	s3 =	simm.s32 @!p0 $0x1082;
	s9 =	sld [smem:$0x3FB6]  }
0x2f: {  	lr =	sadd.s32 s0, s3;
	s0 =	sld [smem:$0x3FAD]  }
0x30: {  	s3 =	sld [smem:$0x3FB0]  }
0x31: {  	[smem:$0x3FB9] =	sst s10  }
0x32: {  	s10 =	sld [smem:$0x3FB7];
	_ =	sdelay $0x3  }
0x33: {  	p0 =	seq.s32 s10, $0x1;
	s10 =	sld [smem:$0x3FB9];
	_ =	sdelay $0x3  }
0x34: {  	[smem:$0x3FB9] =	sst s10  }
0x35: {  	s10 =	sld [smem:$0x3FB8];
	_ =	sdelay $0x3  }
0x36: {  	p1 =	seq.s32 s10, $0x1;
	s10 =	sld [smem:$0x3FB9];
	_ =	sdelay $0x3  }
0x37: {  	[smem:$0x3FB9] =	sst s10  }
0x38: {  	s10 =	sld [smem:$0x3FBA]  }
0x39: {  	_ = 	snop;
	(pc) =	sbr.ind lr, $3  }
0x3a: {  	_ = 	snop  }
0x3b: {  	_ = 	snop  }
0x3c: {  	p2 =	seq.s32 s10, $0x1;
	s10 =	sld [smem:$0x3FB9]  }
0x3d: {  	_ =	shalt  }
0x3e: {  	_ =	shalt  }
0x3f: {  	_ =	shalt  }
0x40: {  	_ =	shalt  }
0x41: {  	_ =	shalt  }
0x42: {  	_ =	shalt  }
0x43: {  	_ =	shalt  }
0x44: {  	_ =	shalt  }
0x45: {  	_ =	shalt  }
0x46: {  	_ =	shalt  }
0x47: {  	_ =	shalt  }
0x48: {  	_ =	shalt  }
0x49: {  	_ =	shalt  }
0x4a: {  	_ =	shalt  }
0x4b: {  	_ =	shalt  }
0x4c: {  	_ =	shalt  }
0x4d: {  	_ =	shalt  }
0x4e: {  	_ =	shalt  }
0x4f: {  	_ =	shalt  }
0x50: {  	_ =	shalt  }
0x51: {  	_ =	shalt  }
0x52: {  	_ =	shalt  }
0x53: {  	_ =	shalt  }
0x54: {  	_ =	shalt  }
0x55: {  	_ =	shalt  }
0x56: {  	_ =	shalt  }
0x57: {  	_ =	shalt  }
0x58: {  	_ =	shalt  }
0x59: {  	_ =	shalt  }
0x5a: {  	_ =	shalt  }
0x5b: {  	_ =	shalt  }
0x5c: {  	_ =	shalt  }
0x5d: {  	_ =	shalt  }
0x5e: {  	_ =	shalt  }
0x5f: {  	_ =	shalt  }
0x60: {  	_ =	shalt  }
0x61: {  	_ =	shalt  }
0x62: {  	_ =	shalt  }
0x63: {  	_ =	shalt  }
0x64: {  	_ =	shalt  }
0x65: {  	_ =	shalt  }
0x66: {  	_ =	shalt  }
0x67: {  	_ =	shalt  }
0x68: {  	_ =	shalt  }
0x69: {  	_ =	shalt  }
0x6a: {  	_ =	shalt  }
0x6b: {  	_ =	shalt  }
0x6c: {  	_ =	shalt  }
0x6d: {  	_ =	shalt  }
0x6e: {  	_ =	shalt  }
0x6f: {  	_ =	shalt  }
0x70: {  	_ =	shalt  }
0x71: {  	_ =	shalt  }
0x72: {  	_ =	shalt  }
0x73: {  	_ =	shalt  }
0x74: {  	_ =	shalt  }
0x75: {  	_ =	shalt  }
0x76: {  	_ =	shalt  }
0x77: {  	_ =	shalt  }
0x78: {  	_ =	shalt  }
0x79: {  	_ =	shalt  }
0x7a: {  	_ =	shalt  }
0x7b: {  	_ =	shalt  }
0x7c: {  	_ =	shalt  }
0x7d: {  	_ =	shalt  }
0x7e: {  	_ =	shalt  }
0x7f: {  	_ =	shalt  }
0x80: {  	_ =	shalt  }
0x81: {  	_ =	shalt  }
0x82: {  	_ =	shalt  }
0x83: {  	_ =	shalt  }
0x84: {  	_ =	shalt  }
0x85: {  	_ =	shalt  }
0x86: {  	_ =	shalt  }
0x87: {  	_ =	shalt  }
.Lfunc_end0:
.L_simem_size_0:
called_computation_lowered:
.L_overlay_start_0:
0x88: {  	s2 =	sld [smem:$0x3FD9]  }
0x89: {  	s3 =	sld [smem:$0x3FFE];
	_ =	sdelay $0x1  }
0x8a: {  	s1 =	srdreg.scid  }
0x8b: {  	s0 =	sand.u32 $0x1, s1  }
0x8c: {  	s16 =	sshll.u32 s0, $0xA;
	s2 =	sadd.s32 s3, s2  }
0x8d: {  	s2 =	sadd.s32 s2, s16  }
0x8e: {  	[smem:$0x3FC5] =	sst s2  }
0x8f: {  	_ = 	snop  }
0x90: {  	(tm) =	ssettm $0x1  }
0x91: {  	s17 =	sld [smem:$0x3FFB];
	_ =	sdelay $0x3  }
0x92: {  	_ =	strace s17  }
0x93: {  	s2 =	sld [smem:$0x3FFC];
	_ =	sdelay $0x3  }
0x94: {  	_ =	strace s2  }
0x95: {  	s2 =	sld [smem:$0x3FFD];
	_ =	sdelay $0x3  }
0x96: {  	_ =	strace s2  }
0x97: {  	_ =	strace $0x8FFFFFFF  }
0x98: {  	s18 =	sld [smem:$0x3FDB];
	_ =	sdelay $0x1  }
0x99: {  	s19 =	simm.s32 $_scs_section_size  }
0x9a: {  	s4 =	simm.s32 $_size__tile_overlayer_lowered;
	s5 =	simm.s32 $_tile_overlayer_lowered  }
0x9b: {  	s22 =	simm.s32 $0x1BFF;
	s21 =	sshll.u32 s5, $0x1;
	s2 =	sadd.s32 s19, s18  }
0x9c: {  	s6 =	simm.s32 $0x0;
	s20 =	sshll.u32 s4, $0x1;
	s4 =	sadd.s32 s21, s2  }
0x9d: {  	[timem:s6], [sflag:s22] =	dma.local [hbm:s4], s20  }
0x9e: {  	_ =	swait.ge [sflag:s22], s20  }
0x9f: {  	s3 =	ssub.s32 $0x0, s20;
	[sflag:s22] =	ssyncset.done $0x0  }
0xa0: {  	[sflag:s22] =	ssyncadd.s32 s3;
	_ =	sdelay $0x1  }
0xa1: {  	s23 =	simm.s32 $0x1B8B  }
0xa2: {  	_ =	swait.ge [sflag:s23], $0x1  }
0xa3: {  	[sflag:s23] =	ssyncset.done $0x0  }
0xa4: {  	s25 =	simm.s32 $0x1B8E;
	s24 =	sld [smem:$0x3FFE];
	[sflag:s23] =	ssyncadd.s32 $0xFFFFFFFF  }
0xa5: {  	s26 =	simm.s32 $execute0_lowered;
	[smem:$0x3FD2] =	sst s25  }
0xa6: {  	s4 =	sshll.u32 s26, $0x1;
	_ =	strace $0x80000046;
	[dreg:$0x1] =	wrdreg $0xFFFFFFFF  }
0xa7: {  	s28 =	simm.s32 $_size_execute0_lowered;
	s2 =	sadd.s32 s2, s4;
	[dreg:$0x0] =	wrdreg $0x0  }
0xa8: {  	s4 =	sshll.u32 s28, $0x1;
	[dreg:$0x2] =	wrdreg s2  }
0xa9: {  	[dreg:$0x3] =	wrdreg s4  }
0xaa: {  	[dreg:$0x4] =	wrdreg $0xC0  }
0xab: {  	_ =	task [dreg:s6], $0x5FFFF  }
0xac: {  	[dreg:$0x1] =	wrdreg $0xFFFFFFFF  }
0xad: {  	[dreg:$0x0] =	wrdreg $0x60  }
0xae: {  	[dreg:$0x2] =	wrdreg s24  }
0xaf: {  	[dreg:$0x3] =	wrdreg $0x9  }
0xb0: {  	_ =	task.clear_ibuf [dreg:s6], $0x4FFFF;
	_ =	strace $0x90000046  }
0xb1: {  	s29 =	simm.s32 $0x9;
	_ =	strace $0x80000048  }
0xb2: {  	_ =	swait.ge [sflag:s29], $0x1  }
0xb3: {  	[sflag:s29] =	ssyncadd.s32 $0xFFFFFFFF  }
0xb4: {  	_ =	strace $0x90000048  }
0xb5: {  	_ =	sfence  }
0xb6: {  	s30 =	sld [smem:$0x0];
	_ =	sdelay $0x2  }
0xb7: {  	s31 =	sshll.u32 s1, $0xD;
	s1 =	sshrl.u32 s1, $0x2  }
0xb8: {  	s3 =	sand.u32 $0x4000, s31;
	s1 =	sadd.s32 s1, s30  }
0xb9: {  	s0 =	sor.u32 s3, s0;
	s1 =	sshll.u32 s1, $0x11  }
0xba: {  	s0 =	sor.u32 s1, s0  }
0xbb: {  	s0 =	sadd.s32 $0x8F2B, s0  }
0xbc: {  	[sflag:s0] =	ssyncadd.remote.s32 $0x1  }
0xbd: {  	_ =	sfence.sel $0xFFFF  }
0xbe: {  	[dreg:$0x0] =	wrdreg $0xFFFFFFFF;
	(pc) =	sbr.abs _section_cstart, $3  }
0xbf: {  	[dreg:$0x1] =	wrdreg $0xFFFFFFFF  }
0xc0: {  	_ =	task.clear_ibuf [dreg:s6], $0x2FFFF;
	_ =	strace $0x9FFFFFFF  }
0xc1: {  	(tm) =	ssettm $0x7FFFFFFF  }
tec
execute0_lowered:
.L_overlay_start_1:
0x0: {  	(tag) =	ssettag $0x1  }
0x1: {  	s0 =	srdreg.scid  }
0x2: {  	s1 =	sshll.u32 s0, $0x4  }
0x3: {  	s0 =	stileid.u32;
	s1 =	sand.u32 $0x10, s1  }
0x4: {  	s2 =	sor.u32 s0, s1  }
0x5: {  	s1 =	smin.u32 s2, $0x12  }
0x6: {  	s1 =	sadd.s32 s2, s1  }
0x7: {  	p0 =	slt.u32 s2, $0x12;
	s2 =	simm.s32 $0x2A0;
	s1 =	smul.u32 $0x150, s1  }
0x8: {  	s2 =	simm.s32 @!p0 $0x150  }
0x9: {  	s2 =	sadd.s32 s2, s1  }
0xa: {  	s3 =	smin.u32 s2, $0x41A0  }
0xb: {  	s7 =	ssub.s32 s3, s1  }
0xc: {  	p0 =	sgt.s32 s7, $0x0  }
0xd: {  	s7 =	simm.s32 @!p0 $0x0  }
0xe: {  	s31 =	sand.u32 $0xFFF0, s7  }
0xf: {  	s2 =	sshrl.u32 s31, $0x4  }
0x10: {  	s2 =	smul.u32 $0xC31, s2  }
0x11: {  	s4 =	rddreg [dreg:$0x0];
	s6 =	simm.s32 $0x1  }
0x12: {  	s10 =	simm.s32 $0x3;
	s13 =	simm.s32 $0x0;
	s8 =	sshrl.u32 s2, $0x10  }
0x13: {  	s12 =	simm.s32 $0x0;
	s5 =	sadd.s32 $0x139200, s4;
	s9 =	smul.u32 $0x150, s8  }
.Ltmp0:
0x14: {  	s11 =	smov.u32 s1;
	s2 =	rddreg [dreg:$0x1];
	(pc) =	sbr.rel .LBB2_1-.Ltmp0, $4  }
0x15: {  	_ =	strace $0x80000047;
	p0 =	sne.s32 s7, s9;
	s9 =	simm.s32 $0x1  }
0x16: {  	[sflag:s6] =	ssyncpa.u1 $0x0;
	s7 =	simm.s32 $0x2;
	s9 =	simm.s32 @!p0 $0x0  }
0x17: {  	[sflag:s7] =	ssyncpa.u1 $0x0;
	p0 =	por $0x0, $0x0;
	s8 =	sadd.s32 s8, s9  }
0x18: {  	vm0 =	vmmov $0xff;
	vm1 =	vcmask $0x3F20;
	s9 =	sadd.s32 $0x271A00, s4;
	[sflag:s10] =	ssyncpa.u1 $0x0;
	s10 =	sadd.s32 $0x1, s8  }
.LBB2_6:
0x19: {  	[hbm:s17] =	stream.linear.scatter [tilespmem:s14], [sflag:$0x3], $0x400, $0x38;
	[tilespmem:$0x152A0] =	vst v63  }
.LBB2_7:
0x1a: {  	s13 =	sadd.s32 $0x150, s11  }
0x1b: {  	s15 =	smov.u32 s1;
	p2 =	slt.s32 s13, s3  }
0x1c: {  	s15 =	smov.u32 @p2 s13;
	p2 =	sne.s32 s12, s10  }
.Ltmp1:
0x1d: {  	p1 =	slt.u32 s12, $0x2;
	(pc) =	sbr.rel @!p2 .LBB2_8-.Ltmp1, $4  }
0x1e: {  	s14 =	simm.s32 @!p1 $0x3  }
0x1f: {  	s16 =	sadd.s32 $0x1, s12;
	_ =	swait.ge @!p1 [sflag:s14], $0xA800  }
0x20: {  	p0 =	por !p0, !p0;
	s13 =	smov.u32 s11;
	[sflag:s14] =	ssyncset.done @!p1 $0x0  }
0x21: {  	s12 =	smov.u32 s16;
	s11 =	smov.u32 s15;
	[sflag:s14] =	ssyncadd.s32 @!p1 $0xFFFF5800  }
.LBB2_1:
0x22: {  	p1 =	sge.u32 s12, s8  }
0x23: {  	s14 =	sxor.u32 @!p1 $0xFFFFFFFF, s12  }
0x24: {  	s14 =	sand.u32 @!p1 $0x1, s14  }
0x25: {  	s14 =	smul.u32 @!p1 $0x540, s14  }
0x26: {  	s31 =	sadd.s32 $0xFFFFFFFF, s12;
	s15 =	sshrl.u32 @!p1 s11, $0x3  }
0x27: {  	s16 =	sand.u32 @!p1 $0x7, s11;
	s15 =	sadd.s32 @!p1 s4, s15;
	s14 =	sshrl.u32 @!p1 s14, $0x2  }
0x28: {  	[tilespmem:s14], [sflag:$0x2] =	stream.linear.gather @!p1 [hbm4b:s15+s16], $0x150, $0x38;
	[tilespmem:$0x152A0] =	vst v63  }
0x29: {  	p1 =	sge.u32 s31, s8  }
.Ltmp2:
0x2a: {  	_ = 	snop;
	(pc) =	sbr.rel @p1 .LBB2_7-.Ltmp2, $1  }
0x2b: {  	_ =	sdelay $0x3  }
0x2c: {  	s14 =	simm.s32 $0x1  }
0x2d: {  	s14 =	simm.s32 @!p0 $0x0  }
0x2e: {  	s15 =	smul.u32 $0x540, s14  }
0x2f: {  	_ =	swait.ge [sflag:s7], $0x150  }
0x30: {  	[sflag:s7] =	ssyncset.done $0x0;
	s16 =	sshrl.u32 s15, $0x2  }
0x31: {  	[sflag:s7] =	ssyncadd.s32 $0xFFFFFEB0;
	s15 =	sadd.s32 $0x0, s16  }
0x32: {  	v0 =	vld.msk [tilespmem:s15+$0x0 ss:$0x1], $0xffff;
	_ =	sdelay $0x4  }
0x33: {  	v1 =	vand.u32 $0x3, v0;
	v2 =	vshll.u32 v0, $0x5  }
0x34: {  	vm2 =	veq.s32 v0, $0x80000000;
	v0 =	vmul.u32 $0x271000, v1;
	v1 =	vand.u32 $0x3FFF80, v2  }
0x35: {  	v1 =	vsel vm2, $0xFFFFFF80, v1  }
0x36: {  	v0 =	vsel vm2, $0xFFD8F000, v0;
	v2 =	vand.u32 $0xFFFFFC00, v1  }
0x37: {  	v1 =	vand.u32 $0x380, v1;
	v0 =	vadd.s32 v0, v2  }
0x38: {  	v0 =	vor.u32 v1, v0  }
0x39: {  	v0 =	vshrl.u32 v0, $0x3  }
0x3a: {  	s14 =	smul.u32 $0x2A000, s14;
	_ =	sdelay $0x1  }
0x3b: {  	s14 =	sshrl.u32 s14, $0x2  }
0x3c: {  	s14 =	sor.u32 $0x2A0, s14  }
0x3d: {  	[tilespmem:s14], [sflag:$0x1] =	stream.indirect_vreg.gather [hbm:s5], $0x80, v0, vm0, $0x38;
	[tilespmem:$0x152A0] =	vst v63  }
0x3e: {  	s17 =	sadd.s32 $0x10, s16;
	s15 =	sadd.s32 $0x400, s14  }
0x3f: {  	[tilespmem:s15], [sflag:$0x1] =	stream.indirect_vreg.gather [hbm:s5], $0x80, v0, vm1, $0x38;
	[tilespmem:$0x152A0] =	vst v63  }
0x40: {  	s18 =	simm.s32 $0x80;
	v0 =	vld.msk [tilespmem:s17+$0x0 ss:$0x1], $0xffff;
	s17 =	smov.u32 s14  }
.LBB2_3:
0x41: {  	p1 =	sne.s32 s18, $0x500;
	_ =	sdelay $0x4  }
0x42: {  	v1 =	vand.u32 $0x3, v0;
	v2 =	vshll.u32 v0, $0x5  }
0x43: {  	vm2 =	veq.s32 v0, $0x80000000;
	v0 =	vmul.u32 $0x271000, v1;
	v1 =	vand.u32 $0x3FFF80, v2  }
0x44: {  	v1 =	vsel vm2, $0xFFFFFF80, v1  }
0x45: {  	v0 =	vsel vm2, $0xFFD8F000, v0;
	v2 =	vand.u32 $0xFFFFFC00, v1  }
0x46: {  	v1 =	vand.u32 $0x380, v1;
	v0 =	vadd.s32 v0, v2  }
0x47: {  	v0 =	vor.u32 v1, v0  }
0x48: {  	v0 =	vshrl.u32 v0, $0x3;
	_ =	sdelay $0x3  }
.Ltmp3:
0x49: {  	s19 =	sshra.s32 s18, $0x2;
	s17 =	sadd.s32 $0x800, s17;
	(pc) =	sbr.rel @p1 .LBB2_3-.Ltmp3, $4  }
0x4a: {  	[tilespmem:s17], [sflag:$0x1] =	stream.indirect_vreg.gather [hbm:s5], $0x80, v0, vm0, $0x38;
	[tilespmem:$0x152A0] =	vst v63  }
0x4b: {  	s19 =	sadd.s32 s19, s16;
	s20 =	sadd.s32 $0x400, s17  }
0x4c: {  	[tilespmem:s20], [sflag:$0x1] =	stream.indirect_vreg.gather [hbm:s5], $0x80, v0, vm1, $0x38;
	[tilespmem:$0x152A0] =	vst v63  }
0x4d: {  	s18 =	sadd.s32 $0x40, s18;
	v0 =	vld.msk [tilespmem:s19+$0x0 ss:$0x1], $0xffff  }
0x4e: {  	_ =	sdelay $0x3  }
0x4f: {  	v1 =	vand.u32 $0x3, v0;
	v2 =	vshll.u32 v0, $0x5  }
0x50: {  	vm2 =	veq.s32 v0, $0x80000000;
	v61 =	vmul.u32 $0x271000, v1;
	v62 =	vand.u32 $0x3FFF80, v2  }
0x51: {  	v1 =	vsel vm2, $0xFFFFFF80, v62  }
0x52: {  	v0 =	vsel vm2, $0xFFD8F000, v61;
	v63 =	vand.u32 $0xFFFFFC00, v1  }
0x53: {  	v1 =	vand.u32 $0x380, v1;
	v0 =	vadd.s32 v0, v63  }
0x54: {  	v0 =	vor.u32 v1, v0  }
0x55: {  	v0 =	vshrl.u32 v0, $0x3;
	_ =	sdelay $0x3  }
0x56: {  	s16 =	sadd.s32 $0x800, s17  }
0x57: {  	[tilespmem:s16], [sflag:$0x1] =	stream.indirect_vreg.gather [hbm:s5], $0x80, v0, vm0, $0x38;
	[tilespmem:$0x152A0] =	vst v63  }
0x58: {  	s16 =	sadd.s32 $0x400, s16  }
0x59: {  	[tilespmem:s16], [sflag:$0x1] =	stream.indirect_vreg.gather [hbm:s5], $0x80, v0, vm1, $0x38;
	[tilespmem:$0x152A0] =	vst v63  }
0x5a: {  	s13 =	sshll.u32 s13, $0x4;
	_ =	swait.ge [sflag:s6], $0xA800  }
0x5b: {  	s13 =	sadd.s32 s13, s9;
	[sflag:s6] =	ssyncset.done $0x0  }
0x5c: {  	s17 =	sadd.s32 $0x0, s13;
	s16 =	simm.s32 $0x80;
	[sflag:s6] =	ssyncadd.s32 $0xFFFF5800  }
.LBB2_5:
0x5d: {  	[hbm:s17] =	stream.linear.scatter [tilespmem:s14], [sflag:$0x3], $0x400, $0x38;
	[tilespmem:$0x152A0] =	vst v63  }
0x5e: {  	s17 =	smov.u32 s16;
	s14 =	smov.u32 s15;
	p1 =	sne.s32 s16, $0x1480  }
.Ltmp4:
0x5f: {  	s16 =	sadd.s32 $0x80, s16;
	(pc) =	sbr.rel @p1 .LBB2_5-.Ltmp4, $2  }
0x60: {  	_ =	sdelay $0x2  }
0x61: {  	s15 =	sadd.s32 $0x400, s15;
	s17 =	sadd.s32 s17, s13  }
.Ltmp5:
0x62: {  	_ = 	snop;
	(pc) =	sbr.rel .LBB2_6-.Ltmp5, $1  }
0x63: {  	_ =	sdelay $0x3  }
.LBB2_8:
0x64: {  	_ =	sfence.sel $0x180000  }
0x65: {  	s1 =	simm.s32 $0x2;
	[bflag:$0x0] =	sbarrier.arrive $0xFFFF  }
0x66: {  	s30 =	simm.s32 $0x3;
	[sflag:s1] =	ssyncpa.u1 $0x1  }
0x67: {  	s31 =	simm.s32 $0x1;
	[sflag:s30] =	ssyncpa.u1 $0x1  }
0x68: {  	[sflag:s31] =	ssyncpa.u1 $0x1  }
0x69: {  	p0 =	sne.s32 s0, $0x0;
	_ =	strace $0x90000047  }
0x6a: {  	s0 =	sadd.s32 @!p0 $0x100000, s2;
	[bflag:$0x2] =	sbarrier.arrive $0xFFFF  }
0x6b: {  	[sflag:s0] =	ssyncadd.tile.s32 @!p0 $0x1;
	_ =	shalt  }
.Lfunc_end2:
_tile_overlayer_lowered:
.L_overlay_start_2:
0x6c: {  	(tag) =	ssettag $0x2  }
0x6d: {  	s0 =	rddreg [dreg:$0x0];
	s2 =	stileid.u32  }
0x6e: {  	s1 =	rddreg [dreg:$0x1];
	p0 =	sne.s32 s2, $0x0  }
0x6f: {  	s3 =	rddreg [dreg:$0x2];
	[bflag:$0x3] =	sbarrier.arrive $0xFFFF;
	s2 =	simm.s32 @!p0 $0x1C01  }
0x70: {  	[timem:s3], [sflag:s2] =	dma.local @!p0 [hbm:s0], s1  }
0x71: {  	s0 =	simm.s32 @!p0 $0x1  }
0x72: {  	_ =	swait.ge @!p0 [sflag:s0], s1  }
0x73: {  	s1 =	ssub.s32 @!p0 $0x0, s1;
	[sflag:s0] =	ssyncset.done @!p0 $0x0  }
0x74: {  	[sflag:s0] =	ssyncadd.s32 @!p0 s1  }
0x75: {  	[bflag:$0x3] =	sbarrier.arrive $0xFFFF  }
0x76: {  	_ =	shalt  }

</sc_bundles>
